<compile_context>
chip_gen: v7x
topology: tpu7x:2x2x1
jax: 0.10.2.dev20260603
libtpu: 0.0.44.dev20260713+nightly
codegen_flags: <defaults>
</compile_context>

<pallas_src>
import functools
import jax
import jax.numpy as jnp
from jax import lax
from jax.experimental import pallas as pl
from jax.experimental.pallas import tpu as pltpu
from jax.experimental.pallas import tpu_sc as plsc

N_NODES = 10000
N_EDGES = 160000
D_FEAT = 256
NHID = 128
N_CLASSES = 2
N_GRAPHS = 128

NC, NS = 2, 16
HALF = NHID // 2
CHUNK = 128
CHUNKS_PER_TILE = 80
N_CHUNKS = NS * CHUNKS_PER_TILE
PAD_EDGES = N_CHUNKS * CHUNK - N_EDGES
ACC_ROWS = 10240
ROWS_PER_TILE = ACC_ROWS // NS
DUMMY_ROW = N_NODES
CNT_W = 8



def _lin_body(x_ref, wl_ref, wr_ref, b1_ref, y0_ref, y1_ref, z_ref):
    x = x_ref[...]
    y = jnp.dot(x, wl_ref[...], preferred_element_type=jnp.float32)
    y0_ref[...] = y[:, :HALF]
    y1_ref[...] = y[:, HALF:]
    z_ref[...] = jnp.dot(x, wr_ref[...], preferred_element_type=jnp.float32) + b1_ref[...]


def _linear(x, W_l, W_r, b1):
    blk = 1000
    return pl.pallas_call(
        _lin_body,
        grid=(N_NODES // blk,),
        in_specs=[
            pl.BlockSpec((blk, D_FEAT), lambda i: (i, 0)),
            pl.BlockSpec((D_FEAT, NHID), lambda i: (0, 0)),
            pl.BlockSpec((D_FEAT, NHID), lambda i: (0, 0)),
            pl.BlockSpec((1, NHID), lambda i: (0, 0)),
        ],
        out_specs=[
            pl.BlockSpec((blk, HALF), lambda i: (i, 0)),
            pl.BlockSpec((blk, HALF), lambda i: (i, 0)),
            pl.BlockSpec((blk, NHID), lambda i: (i, 0)),
        ],
        out_shape=[
            jax.ShapeDtypeStruct((N_NODES, HALF), jnp.float32),
            jax.ShapeDtypeStruct((N_NODES, HALF), jnp.float32),
            jax.ShapeDtypeStruct((N_NODES, NHID), jnp.float32),
        ],
    )(x, W_l, W_r, b1.reshape(1, NHID))



def _sc_body(y0_hbm, y1_hbm, src_hbm, dst_hbm, zrow_hbm, zcnt_hbm, ones_hbm,
             agg0_out, agg1_out, cnt_out,
             src_v, dst_v, rows_a, rows_b, rows_c, rows_d, ones_v,
             acc_sh, cnt_sh,
             gsem_a, gsem_b, gsem_c, gsem_d,
             ssem_a, ssem_b, ssem_c, ssem_d, sem_o, sem_p):
    c = lax.axis_index("c")
    s = lax.axis_index("s")
    r0 = pl.multiple_of(s * ROWS_PER_TILE, 8)

    c0 = pl.multiple_of(s * CHUNKS_PER_TILE, 8)
    prologue = [
        (zrow_hbm, acc_sh.at[pl.ds(r0, ROWS_PER_TILE)]),
        (zcnt_hbm, cnt_sh.at[pl.ds(r0, ROWS_PER_TILE)]),
        (ones_hbm, ones_v),
        (src_hbm.at[pl.ds(c0, CHUNKS_PER_TILE)], src_v),
        (dst_hbm.at[pl.ds(c0, CHUNKS_PER_TILE)], dst_v),
    ]
    for src_ref, dst_ref in prologue:
        pltpu.async_copy(src_ref, dst_ref, sem_p)
    for src_ref, dst_ref in prologue:
        pltpu.make_async_copy(src_ref, dst_ref, sem_p).wait()

    plsc.subcore_barrier()

    def edge_loop(y_hbm, cnt_lo, cnt_hi):
        bufs = (rows_a, rows_b, rows_c, rows_d)
        gsems = (gsem_a, gsem_b, gsem_c, gsem_d)
        ssems = (ssem_a, ssem_b, ssem_c, ssem_d)
        nsuper = CHUNKS_PER_TILE // 4

        def wait_gather(b):
            pltpu.make_async_copy(y_hbm.at[pl.ds(0, CHUNK)], bufs[b],
                                  gsems[b]).wait()

        def wait_scatter(b):
            pltpu.make_async_copy(bufs[b], acc_sh.at[dst_v.at[0]],
                                  ssems[b]).wait()

        def wait_ones():
            pltpu.make_async_copy(ones_v, cnt_sh.at[dst_v.at[0]],
                                  sem_o).wait()

        for b in range(4):
            pltpu.async_copy(y_hbm.at[src_v.at[b]], bufs[b], gsems[b])

        def super_body(j, carry):
            k0 = 4 * j

            @pl.when(jnp.logical_and(j > cnt_lo, j < cnt_hi))
            def _():
                for _b in range(4):
                    wait_ones()

            for b in range(4):
                wait_gather(b)
                pltpu.async_copy(bufs[b], acc_sh.at[dst_v.at[k0 + b]],
                                 ssems[b], add=True)

                @pl.when(jnp.logical_and(j >= cnt_lo, j < cnt_hi))
                def _():
                    pltpu.async_copy(ones_v, cnt_sh.at[dst_v.at[k0 + b]],
                                     sem_o, add=True)

            @pl.when(j < nsuper - 1)
            def _():
                for b in range(4):
                    wait_scatter(b)
                    pltpu.async_copy(y_hbm.at[src_v.at[k0 + 4 + b]],
                                     bufs[b], gsems[b])
            return carry

        lax.fori_loop(0, nsuper, super_body, 0)
        for b in range(4):
            wait_scatter(b)
        if cnt_hi > cnt_lo:
            for _b in range(4):
                wait_ones()

    nsuper = CHUNKS_PER_TILE // 4

    @pl.when(c == 0)
    def _():
        edge_loop(y0_hbm, 0, 0)

    @pl.when(c == 1)
    def _():
        edge_loop(y1_hbm, 0, nsuper)

    plsc.subcore_barrier()

    nvalid = N_NODES - (NS - 1) * ROWS_PER_TILE

    def writeback(nrows):
        @pl.when(c == 0)
        def _():
            pltpu.sync_copy(acc_sh.at[pl.ds(r0, nrows)],
                            agg0_out.at[pl.ds(r0, nrows)])

        @pl.when(c == 1)
        def _():
            pltpu.sync_copy(acc_sh.at[pl.ds(r0, nrows)],
                            agg1_out.at[pl.ds(r0, nrows)])
            pltpu.sync_copy(cnt_sh.at[pl.ds(r0, nrows)],
                            cnt_out.at[pl.ds(r0, nrows)])

    @pl.when(s < NS - 1)
    def _():
        writeback(ROWS_PER_TILE)

    @pl.when(s == NS - 1)
    def _():
        writeback(nvalid)


@functools.cache
def _sc_aggregate_kernel():
    mesh = plsc.VectorSubcoreMesh(
        core_axis_name="c", subcore_axis_name="s",
        num_cores=NC, num_subcores=NS)
    return pl.kernel(
        _sc_body,
        out_type=[
            jax.ShapeDtypeStruct((N_NODES, HALF), jnp.float32),
            jax.ShapeDtypeStruct((N_NODES, HALF), jnp.float32),
            jax.ShapeDtypeStruct((N_NODES, CNT_W), jnp.float32),
        ],
        mesh=mesh,
        compiler_params=pltpu.CompilerParams(use_tc_tiling_on_sc=False),
        scratch_types=[
            pltpu.VMEM((CHUNKS_PER_TILE, CHUNK), jnp.int32),
            pltpu.VMEM((CHUNKS_PER_TILE, CHUNK), jnp.int32),
            pltpu.VMEM((CHUNK, HALF), jnp.float32),
            pltpu.VMEM((CHUNK, HALF), jnp.float32),
            pltpu.VMEM((CHUNK, HALF), jnp.float32),
            pltpu.VMEM((CHUNK, HALF), jnp.float32),
            pltpu.VMEM((CHUNK, CNT_W), jnp.float32),
            pltpu.VMEM_SHARED((ACC_ROWS, HALF), jnp.float32),
            pltpu.VMEM_SHARED((ACC_ROWS, CNT_W), jnp.float32),
        ] + [pltpu.SemaphoreType.DMA] * 10,
    )


def _sc_aggregate(*args):
    return _sc_aggregate_kernel()(*args)



_FIN_BLK = 400


def _fin_body(p0_ref, p1_ref, cnt_ref, z_ref, bf_ref, w2_ref,
              b2_ref, out_ref, pooled_ref):
    i = pl.program_id(0)

    @pl.when(i == 0)
    def _():
        pooled_ref[...] = jnp.zeros_like(pooled_ref)

    cnt = cnt_ref[:, 0:1]
    agg = jnp.concatenate([p0_ref[...], p1_ref[...]], axis=-1)
    h = jnp.maximum(agg / jnp.maximum(cnt, 1.0) + z_ref[...], 0.0)
    bcol = bf_ref[...]
    g_lo = jnp.min(bcol).astype(jnp.int32)
    g_hi = jnp.max(bcol).astype(jnp.int32)

    def body(g, carry):
        mask = bcol == g.astype(jnp.float32)
        m = jnp.max(jnp.where(mask, h, 0.0), axis=0, keepdims=True)
        cur = pooled_ref[pl.ds(g, 1), :]
        pooled_ref[pl.ds(g, 1), :] = jnp.maximum(cur, m)
        return carry

    lax.fori_loop(g_lo, g_hi + 1, body, 0)

    @pl.when(i == pl.num_programs(0) - 1)
    def _():
        logits = jnp.dot(pooled_ref[...], w2_ref[...],
                         preferred_element_type=jnp.float32) + b2_ref[...]
        mx = jnp.max(logits, axis=-1, keepdims=True)
        lse = jnp.log(jnp.sum(jnp.exp(logits - mx), axis=-1, keepdims=True)) + mx
        out_ref[...] = logits - lse


def _finalize(p0, p1, cnt, z, batch_f, W2, b2):
    blk = _FIN_BLK
    return pl.pallas_call(
        _fin_body,
        grid=(N_NODES // blk,),
        in_specs=[
            pl.BlockSpec((blk, HALF), lambda i: (i, 0)),
            pl.BlockSpec((blk, HALF), lambda i: (i, 0)),
            pl.BlockSpec((blk, CNT_W), lambda i: (i, 0)),
            pl.BlockSpec((blk, NHID), lambda i: (i, 0)),
            pl.BlockSpec((blk, 1), lambda i: (i, 0)),
            pl.BlockSpec((NHID, N_CLASSES), lambda i: (0, 0)),
            pl.BlockSpec((1, N_CLASSES), lambda i: (0, 0)),
        ],
        out_specs=pl.BlockSpec((N_GRAPHS, N_CLASSES), lambda i: (0, 0)),
        out_shape=jax.ShapeDtypeStruct((N_GRAPHS, N_CLASSES), jnp.float32),
        scratch_shapes=[pltpu.VMEM((N_GRAPHS, NHID), jnp.float32)],
    )(p0, p1, cnt, z, batch_f, W2, b2)


def kernel(x, edge_index, batch, W_l, W_r, b1, W2, b2):
    y0, y1, z = _linear(x, W_l, W_r, b1)
    src_pad = jnp.concatenate(
        [edge_index[0], jnp.zeros((PAD_EDGES,), jnp.int32)])
    dst_pad = jnp.concatenate(
        [edge_index[1], jnp.full((PAD_EDGES,), DUMMY_ROW, jnp.int32)])
    src2d = src_pad.reshape(N_CHUNKS, CHUNK)
    dst2d = dst_pad.reshape(N_CHUNKS, CHUNK)
    zrow = jnp.zeros((ROWS_PER_TILE, HALF), jnp.float32)
    zcnt = jnp.zeros((ROWS_PER_TILE, CNT_W), jnp.float32)
    ones = jnp.ones((CHUNK, CNT_W), jnp.float32)
    p0, p1, cnt = _sc_aggregate(y0, y1, src2d, dst2d, zrow, zcnt, ones)
    batch_f = batch.astype(jnp.float32).reshape(N_NODES, 1)
    return _finalize(p0, p1, cnt, z, batch_f, W2,
                     b2.reshape(1, N_CLASSES))

# --- scband reference (transcript-rebuilt; emitter-appended) ---
"""Pipeline reference for scband-upfd-54640573939718 (READ-ONLY COPY).

The authoritative reference and input builder live on the scoring server;
editing this copy changes nothing except your own understanding.
"""

import jax, jax.numpy as jnp
import numpy as np

N_NODES = 10000
N_EDGES = 160000
D_FEAT = 256
NHID = 128
N_CLASSES = 2
N_GRAPHS = 128


def setup_inputs(seed: int = 0) -> dict:
    key = jax.random.key(seed)
    k_x, k_e, k_b, k_wl, k_wr, k_b1, k_w2, k_b2 = jax.random.split(key, 8)
    x = jax.random.normal(k_x, (N_NODES, D_FEAT), dtype=jnp.float32)
    edge_index = jax.random.randint(k_e, (2, N_EDGES), 0, N_NODES, dtype=jnp.int32)
    batch = jnp.sort(jax.random.randint(k_b, (N_NODES,), 0, N_GRAPHS, dtype=jnp.int32))
    s1 = 1.0 / np.sqrt(D_FEAT)
    s2 = 1.0 / np.sqrt(NHID)
    W_l = jax.random.uniform(k_wl, (D_FEAT, NHID), dtype=jnp.float32, minval=-s1, maxval=s1)
    W_r = jax.random.uniform(k_wr, (D_FEAT, NHID), dtype=jnp.float32, minval=-s1, maxval=s1)
    b1 = jax.random.uniform(k_b1, (NHID,), dtype=jnp.float32, minval=-s1, maxval=s1)
    W2 = jax.random.uniform(k_w2, (NHID, N_CLASSES), dtype=jnp.float32, minval=-s2, maxval=s2)
    b2 = jax.random.uniform(k_b2, (N_CLASSES,), dtype=jnp.float32, minval=-s2, maxval=s2)
    return {"x": x, "edge_index": edge_index, "batch": batch,
            "W_l": W_l, "W_r": W_r, "b1": b1, "W2": W2, "b2": b2}


def reference(x, edge_index, batch, W_l, W_r, b1, W2, b2):
    # SAGEConv (mean aggregation): out = lin_l(mean_{j in N(i)} x_j) + lin_r(x_i)
    src = edge_index[0]
    dst = edge_index[1]
    msgs = x[src]  # gather
    agg_sum = jax.ops.segment_sum(msgs, dst, num_segments=N_NODES)
    cnt = jax.ops.segment_sum(jnp.ones((msgs.shape[0], 1), dtype=x.dtype), dst, num_segments=N_NODES)
    agg = agg_sum / jnp.maximum(cnt, 1.0)
    h = agg @ W_l + x @ W_r + b1
    h = jax.nn.relu(h)
    # global_max_pool over graphs in the batch
    pooled = jax.ops.segment_max(h, batch, num_segments=N_GRAPHS)
    pooled = jnp.where(jnp.isneginf(pooled), 0.0, pooled)
    logits = pooled @ W2 + b2
    return jax.nn.log_softmax(logits, axis=-1)

if __name__ == "__main__":
    import jax
    _d = setup_inputs()
    print(jax.jit(kernel)(*tuple(_d.values())))

</pallas_src>

<mosaic_0001>
#map = affine_map<(d0, d1) -> (0, 0)>
module attributes {stable_mosaic.version = 14 : i64} {
  func.func @_sc_body(%arg0: i32, %arg1: i32, %arg2: memref<10000x64xf32, #tpu.memory_space<hbm>>, %arg3: memref<10000x64xf32, #tpu.memory_space<hbm>>, %arg4: memref<1280x128xi32, #tpu.memory_space<hbm>>, %arg5: memref<1280x128xi32, #tpu.memory_space<hbm>>, %arg6: memref<640x64xf32, #tpu.memory_space<hbm>>, %arg7: memref<640x8xf32, #tpu.memory_space<hbm>>, %arg8: memref<128x8xf32, #tpu.memory_space<hbm>>, %arg9: memref<10000x64xf32, #tpu.memory_space<hbm>>, %arg10: memref<10000x64xf32, #tpu.memory_space<hbm>>, %arg11: memref<10000x8xf32, #tpu.memory_space<hbm>>, %arg12: memref<80x128xi32, #tpu.memory_space<vmem>>, %arg13: memref<80x128xi32, #tpu.memory_space<vmem>>, %arg14: memref<128x64xf32, #tpu.memory_space<vmem>>, %arg15: memref<128x64xf32, #tpu.memory_space<vmem>>, %arg16: memref<128x64xf32, #tpu.memory_space<vmem>>, %arg17: memref<128x64xf32, #tpu.memory_space<vmem>>, %arg18: memref<128x8xf32, #tpu.memory_space<vmem>>, %arg19: memref<10240x64xf32, #tpu.memory_space<vmem_shared>>, %arg20: memref<10240x8xf32, #tpu.memory_space<vmem_shared>>, %arg21: memref<!tpu.dma_semaphore, #tpu.memory_space<semaphore_mem>>, %arg22: memref<!tpu.dma_semaphore, #tpu.memory_space<semaphore_mem>>, %arg23: memref<!tpu.dma_semaphore, #tpu.memory_space<semaphore_mem>>, %arg24: memref<!tpu.dma_semaphore, #tpu.memory_space<semaphore_mem>>, %arg25: memref<!tpu.dma_semaphore, #tpu.memory_space<semaphore_mem>>, %arg26: memref<!tpu.dma_semaphore, #tpu.memory_space<semaphore_mem>>, %arg27: memref<!tpu.dma_semaphore, #tpu.memory_space<semaphore_mem>>, %arg28: memref<!tpu.dma_semaphore, #tpu.memory_space<semaphore_mem>>, %arg29: memref<!tpu.dma_semaphore, #tpu.memory_space<semaphore_mem>>, %arg30: memref<!tpu.dma_semaphore, #tpu.memory_space<semaphore_mem>>) attributes {dimension_semantics = [#tpu.dimension_semantics<core_parallel>, #tpu.dimension_semantics<subcore_parallel>], iteration_bounds = array<i64: 2, 16>, scalar_prefetch = 0 : i64, scratch_operands = 19 : i64, tpu.core_type = #tpu.core_type<sc_vector_subcore>, window_params = [{transform_indices = #map}, {transform_indices = #map}, {transform_indices = #map}, {transform_indices = #map}, {transform_indices = #map}, {transform_indices = #map}, {transform_indices = #map}, {transform_indices = #map}, {transform_indices = #map}, {transform_indices = #map}]} {
    %mul3A = arith.constant 640 : i32
    %mul3A_0 = arith.muli %arg1, %mul3A : i32
    %multiple_of3A = tpu.assume_multiple %mul3A_0, 8 : i32
    %mul3A_1 = arith.constant 80 : i32
    %mul3A_2 = arith.muli %arg1, %mul3A_1 : i32
    %multiple_of3A_3 = tpu.assume_multiple %mul3A_2, 8 : i32
    %dma_start3A = arith.constant 0 : i32
    %dma_start3A_4 = tpu.memref_slice %arg19[%multiple_of3A, %dma_start3A] : memref<10240x64xf32, #tpu.memory_space<vmem_shared>> -> memref<640x64xf32, #tpu.memory_space<vmem_shared>>
    tpu.enqueue_dma source(%arg6 : memref<640x64xf32, #tpu.memory_space<hbm>>) target(%dma_start3A_4 : memref<640x64xf32, #tpu.memory_space<vmem_shared>>) target_semaphore(%arg30 : memref<!tpu.dma_semaphore, #tpu.memory_space<semaphore_mem>>)
    %dma_start3A_5 = arith.constant 0 : i32
    %dma_start3A_6 = tpu.memref_slice %arg20[%multiple_of3A, %dma_start3A_5] : memref<10240x8xf32, #tpu.memory_space<vmem_shared>> -> memref<640x8xf32, #tpu.memory_space<vmem_shared>>
    tpu.enqueue_dma source(%arg7 : memref<640x8xf32, #tpu.memory_space<hbm>>) target(%dma_start3A_6 : memref<640x8xf32, #tpu.memory_space<vmem_shared>>) target_semaphore(%arg30 : memref<!tpu.dma_semaphore, #tpu.memory_space<semaphore_mem>>)
    tpu.enqueue_dma source(%arg8 : memref<128x8xf32, #tpu.memory_space<hbm>>) target(%arg18 : memref<128x8xf32, #tpu.memory_space<vmem>>) target_semaphore(%arg30 : memref<!tpu.dma_semaphore, #tpu.memory_space<semaphore_mem>>)
    %dma_start3A_7 = arith.constant 0 : i32
    %dma_start3A_8 = tpu.memref_slice %arg4[%multiple_of3A_3, %dma_start3A_7] : memref<1280x128xi32, #tpu.memory_space<hbm>> -> memref<80x128xi32, #tpu.memory_space<hbm>>
    %dma_start3A_9 = arith.constant 0 : i32
    %dma_start3A_10 = tpu.memref_slice %arg4[%multiple_of3A_3, %dma_start3A_9] : memref<1280x128xi32, #tpu.memory_space<hbm>> -> memref<80x128xi32, #tpu.memory_space<hbm>>
    tpu.enqueue_dma source(%dma_start3A_10 : memref<80x128xi32, #tpu.memory_space<hbm>>) target(%arg12 : memref<80x128xi32, #tpu.memory_space<vmem>>) target_semaphore(%arg30 : memref<!tpu.dma_semaphore, #tpu.memory_space<semaphore_mem>>)
    %dma_start3A_11 = arith.constant 0 : i32
    %dma_start3A_12 = tpu.memref_slice %arg5[%multiple_of3A_3, %dma_start3A_11] : memref<1280x128xi32, #tpu.memory_space<hbm>> -> memref<80x128xi32, #tpu.memory_space<hbm>>
    %dma_start3A_13 = arith.constant 0 : i32
    %dma_start3A_14 = tpu.memref_slice %arg5[%multiple_of3A_3, %dma_start3A_13] : memref<1280x128xi32, #tpu.memory_space<hbm>> -> memref<80x128xi32, #tpu.memory_space<hbm>>
    tpu.enqueue_dma source(%dma_start3A_14 : memref<80x128xi32, #tpu.memory_space<hbm>>) target(%arg13 : memref<80x128xi32, #tpu.memory_space<vmem>>) target_semaphore(%arg30 : memref<!tpu.dma_semaphore, #tpu.memory_space<semaphore_mem>>)
    %dma_wait3A = arith.constant 0 : i32
    %dma_wait3A_15 = tpu.memref_slice %arg19[%multiple_of3A, %dma_wait3A] : memref<10240x64xf32, #tpu.memory_space<vmem_shared>> -> memref<640x64xf32, #tpu.memory_space<vmem_shared>>
    tpu.wait_dma2 semaphore(%arg30 : memref<!tpu.dma_semaphore, #tpu.memory_space<semaphore_mem>>) src(%arg6 : memref<640x64xf32, #tpu.memory_space<hbm>>) dst(%dma_wait3A_15 : memref<640x64xf32, #tpu.memory_space<vmem_shared>>)
    %dma_wait3A_16 = arith.constant 0 : i32
    %dma_wait3A_17 = tpu.memref_slice %arg20[%multiple_of3A, %dma_wait3A_16] : memref<10240x8xf32, #tpu.memory_space<vmem_shared>> -> memref<640x8xf32, #tpu.memory_space<vmem_shared>>
    tpu.wait_dma2 semaphore(%arg30 : memref<!tpu.dma_semaphore, #tpu.memory_space<semaphore_mem>>) src(%arg7 : memref<640x8xf32, #tpu.memory_space<hbm>>) dst(%dma_wait3A_17 : memref<640x8xf32, #tpu.memory_space<vmem_shared>>)
    tpu.wait_dma2 semaphore(%arg30 : memref<!tpu.dma_semaphore, #tpu.memory_space<semaphore_mem>>) src(%arg8 : memref<128x8xf32, #tpu.memory_space<hbm>>) dst(%arg18 : memref<128x8xf32, #tpu.memory_space<vmem>>)
    %dma_wait3A_18 = arith.constant 0 : i32
    %dma_wait3A_19 = tpu.memref_slice %arg4[%multiple_of3A_3, %dma_wait3A_18] : memref<1280x128xi32, #tpu.memory_space<hbm>> -> memref<80x128xi32, #tpu.memory_space<hbm>>
    %dma_wait3A_20 = arith.constant 0 : i32
    %dma_wait3A_21 = tpu.memref_slice %arg4[%multiple_of3A_3, %dma_wait3A_20] : memref<1280x128xi32, #tpu.memory_space<hbm>> -> memref<80x128xi32, #tpu.memory_space<hbm>>
    tpu.wait_dma2 semaphore(%arg30 : memref<!tpu.dma_semaphore, #tpu.memory_space<semaphore_mem>>) src(%dma_wait3A_21 : memref<80x128xi32, #tpu.memory_space<hbm>>) dst(%arg12 : memref<80x128xi32, #tpu.memory_space<vmem>>)
    %dma_wait3A_22 = arith.constant 0 : i32
    %dma_wait3A_23 = tpu.memref_slice %arg5[%multiple_of3A_3, %dma_wait3A_22] : memref<1280x128xi32, #tpu.memory_space<hbm>> -> memref<80x128xi32, #tpu.memory_space<hbm>>
    %dma_wait3A_24 = arith.constant 0 : i32
    %dma_wait3A_25 = tpu.memref_slice %arg5[%multiple_of3A_3, %dma_wait3A_24] : memref<1280x128xi32, #tpu.memory_space<hbm>> -> memref<80x128xi32, #tpu.memory_space<hbm>>
    tpu.wait_dma2 semaphore(%arg30 : memref<!tpu.dma_semaphore, #tpu.memory_space<semaphore_mem>>) src(%dma_wait3A_25 : memref<80x128xi32, #tpu.memory_space<hbm>>) dst(%arg13 : memref<80x128xi32, #tpu.memory_space<vmem>>)
    %barrier3A = arith.constant 0 : index
    tpu.barrier barrier_id(%barrier3A)
    %eq3A = arith.constant 0 : i32
    %eq3A_26 = arith.cmpi eq, %arg0, %eq3A : i32
    %convert_element_type3A = arith.extui %eq3A_26 : i1 to i32
    %cond3A = arith.constant 0 : i32
    %cond3A_27 = arith.cmpi ne, %convert_element_type3A, %cond3A : i32
    scf.if %cond3A_27 {
      %dma_start3A_43 = arith.constant 0 : i32
      %dma_start3A_44 = arith.constant 0 : i32
      %dma_start3A_45 = tpu.memref_slice %arg12[%dma_start3A_43, %dma_start3A_44] : memref<80x128xi32, #tpu.memory_space<vmem>> -> memref<1x128xi32, #tpu.memory_space<vmem>>
      %dma_start3A_46 = tpu.memref_squeeze %dma_start3A_45 : memref<1x128xi32, #tpu.memory_space<vmem>> -> memref<128xi32, #tpu.memory_space<vmem>>
      %dma_start3A_47 = arith.constant 0 : i32
      %dma_start3A_48 = arith.constant 0 : i32
      %dma_start3A_49 = tpu.memref_slice %arg2[%dma_start3A_47, %dma_start3A_48] : memref<10000x64xf32, #tpu.memory_space<hbm>> -> memref<10000x64xf32, #tpu.memory_space<hbm>>
      tpu.enqueue_indirect_dma source(%dma_start3A_49 : memref<10000x64xf32, #tpu.memory_space<hbm>>) target(%arg14 : memref<128x64xf32, #tpu.memory_space<vmem>>) offsets(%dma_start3A_46 : memref<128xi32, #tpu.memory_space<vmem>>) semaphore(%arg21 : memref<!tpu.dma_semaphore, #tpu.memory_space<semaphore_mem>>)
      %dma_start3A_50 = arith.constant 1 : i32
      %dma_start3A_51 = arith.constant 0 : i32
      %dma_start3A_52 = tpu.memref_slice %arg12[%dma_start3A_50, %dma_start3A_51] : memref<80x128xi32, #tpu.memory_space<vmem>> -> memref<1x128xi32, #tpu.memory_space<vmem>>
      %dma_start3A_53 = tpu.memref_squeeze %dma_start3A_52 : memref<1x128xi32, #tpu.memory_space<vmem>> -> memref<128xi32, #tpu.memory_space<vmem>>
      %dma_start3A_54 = arith.constant 0 : i32
      %dma_start3A_55 = arith.constant 0 : i32
      %dma_start3A_56 = tpu.memref_slice %arg2[%dma_start3A_54, %dma_start3A_55] : memref<10000x64xf32, #tpu.memory_space<hbm>> -> memref<10000x64xf32, #tpu.memory_space<hbm>>
      tpu.enqueue_indirect_dma source(%dma_start3A_56 : memref<10000x64xf32, #tpu.memory_space<hbm>>) target(%arg15 : memref<128x64xf32, #tpu.memory_space<vmem>>) offsets(%dma_start3A_53 : memref<128xi32, #tpu.memory_space<vmem>>) semaphore(%arg22 : memref<!tpu.dma_semaphore, #tpu.memory_space<semaphore_mem>>)
      %dma_start3A_57 = arith.constant 2 : i32
      %dma_start3A_58 = arith.constant 0 : i32
      %dma_start3A_59 = tpu.memref_slice %arg12[%dma_start3A_57, %dma_start3A_58] : memref<80x128xi32, #tpu.memory_space<vmem>> -> memref<1x128xi32, #tpu.memory_space<vmem>>
      %dma_start3A_60 = tpu.memref_squeeze %dma_start3A_59 : memref<1x128xi32, #tpu.memory_space<vmem>> -> memref<128xi32, #tpu.memory_space<vmem>>
      %dma_start3A_61 = arith.constant 0 : i32
      %dma_start3A_62 = arith.constant 0 : i32
      %dma_start3A_63 = tpu.memref_slice %arg2[%dma_start3A_61, %dma_start3A_62] : memref<10000x64xf32, #tpu.memory_space<hbm>> -> memref<10000x64xf32, #tpu.memory_space<hbm>>
      tpu.enqueue_indirect_dma source(%dma_start3A_63 : memref<10000x64xf32, #tpu.memory_space<hbm>>) target(%arg16 : memref<128x64xf32, #tpu.memory_space<vmem>>) offsets(%dma_start3A_60 : memref<128xi32, #tpu.memory_space<vmem>>) semaphore(%arg23 : memref<!tpu.dma_semaphore, #tpu.memory_space<semaphore_mem>>)
      %dma_start3A_64 = arith.constant 3 : i32
      %dma_start3A_65 = arith.constant 0 : i32
      %dma_start3A_66 = tpu.memref_slice %arg12[%dma_start3A_64, %dma_start3A_65] : memref<80x128xi32, #tpu.memory_space<vmem>> -> memref<1x128xi32, #tpu.memory_space<vmem>>
      %dma_start3A_67 = tpu.memref_squeeze %dma_start3A_66 : memref<1x128xi32, #tpu.memory_space<vmem>> -> memref<128xi32, #tpu.memory_space<vmem>>
      %dma_start3A_68 = arith.constant 0 : i32
      %dma_start3A_69 = arith.constant 0 : i32
      %dma_start3A_70 = tpu.memref_slice %arg2[%dma_start3A_68, %dma_start3A_69] : memref<10000x64xf32, #tpu.memory_space<hbm>> -> memref<10000x64xf32, #tpu.memory_space<hbm>>
      tpu.enqueue_indirect_dma source(%dma_start3A_70 : memref<10000x64xf32, #tpu.memory_space<hbm>>) target(%arg17 : memref<128x64xf32, #tpu.memory_space<vmem>>) offsets(%dma_start3A_67 : memref<128xi32, #tpu.memory_space<vmem>>) semaphore(%arg24 : memref<!tpu.dma_semaphore, #tpu.memory_space<semaphore_mem>>)
      %scan3A = arith.constant 0 : i32
      %scan3A_71 = arith.constant 0 : i32
      %scan3A_72 = arith.constant 20 : i32
      %scan3A_73 = arith.addi %scan3A_71, %scan3A_72 : i32
      %scan3A_74 = arith.constant 1 : i32
      scf.for %scan3A_104 = %scan3A_71 to %scan3A_73 step %scan3A_74  : i32 {
        %mul3A_105 = arith.constant 4 : i32
        %mul3A_106 = arith.muli %mul3A_105, %scan3A_104 : i32
        %gt3A = arith.constant 0 : i32
        %gt3A_107 = arith.cmpi sgt, %scan3A_104, %gt3A : i32
        %lt3A_108 = arith.constant 0 : i32
        %lt3A_109 = arith.cmpi slt, %scan3A_104, %lt3A_108 : i32
        %and3A = arith.andi %gt3A_107, %lt3A_109 : i1
        %convert_element_type3A_110 = arith.extui %and3A : i1 to i32
        %cond3A_111 = arith.constant 0 : i32
        %cond3A_112 = arith.cmpi ne, %convert_element_type3A_110, %cond3A_111 : i32
        scf.if %cond3A_112 {
          %dma_wait3A_204 = arith.constant 0 : i32
          %dma_wait3A_205 = arith.constant 0 : i32
          %dma_wait3A_206 = tpu.memref_slice %arg13[%dma_wait3A_204, %dma_wait3A_205] : memref<80x128xi32, #tpu.memory_space<vmem>> -> memref<1x128xi32, #tpu.memory_space<vmem>>
          %dma_wait3A_207 = tpu.memref_squeeze %dma_wait3A_206 : memref<1x128xi32, #tpu.memory_space<vmem>> -> memref<128xi32, #tpu.memory_space<vmem>>
          %dma_wait3A_208 = arith.constant 0 : i32
          %dma_wait3A_209 = arith.constant 0 : i32
          %dma_wait3A_210 = tpu.memref_slice %arg20[%dma_wait3A_208, %dma_wait3A_209] : memref<10240x8xf32, #tpu.memory_space<vmem_shared>> -> memref<10240x8xf32, #tpu.memory_space<vmem_shared>>
          tpu.wait_indirect_dma semaphore(%arg29 : memref<!tpu.dma_semaphore, #tpu.memory_space<semaphore_mem>>) src(%arg18 : memref<128x8xf32, #tpu.memory_space<vmem>>) dst(%dma_wait3A_210 : memref<10240x8xf32, #tpu.memory_space<vmem_shared>>)
          %dma_wait3A_211 = arith.constant 0 : i32
          %dma_wait3A_212 = arith.constant 0 : i32
          %dma_wait3A_213 = tpu.memref_slice %arg13[%dma_wait3A_211, %dma_wait3A_212] : memref<80x128xi32, #tpu.memory_space<vmem>> -> memref<1x128xi32, #tpu.memory_space<vmem>>
          %dma_wait3A_214 = tpu.memref_squeeze %dma_wait3A_213 : memref<1x128xi32, #tpu.memory_space<vmem>> -> memref<128xi32, #tpu.memory_space<vmem>>
          %dma_wait3A_215 = arith.constant 0 : i32
          %dma_wait3A_216 = arith.constant 0 : i32
          %dma_wait3A_217 = tpu.memref_slice %arg20[%dma_wait3A_215, %dma_wait3A_216] : memref<10240x8xf32, #tpu.memory_space<vmem_shared>> -> memref<10240x8xf32, #tpu.memory_space<vmem_shared>>
          tpu.wait_indirect_dma semaphore(%arg29 : memref<!tpu.dma_semaphore, #tpu.memory_space<semaphore_mem>>) src(%arg18 : memref<128x8xf32, #tpu.memory_space<vmem>>) dst(%dma_wait3A_217 : memref<10240x8xf32, #tpu.memory_space<vmem_shared>>)
          %dma_wait3A_218 = arith.constant 0 : i32
          %dma_wait3A_219 = arith.constant 0 : i32
          %dma_wait3A_220 = tpu.memref_slice %arg13[%dma_wait3A_218, %dma_wait3A_219] : memref<80x128xi32, #tpu.memory_space<vmem>> -> memref<1x128xi32, #tpu.memory_space<vmem>>
          %dma_wait3A_221 = tpu.memref_squeeze %dma_wait3A_220 : memref<1x128xi32, #tpu.memory_space<vmem>> -> memref<128xi32, #tpu.memory_space<vmem>>
          %dma_wait3A_222 = arith.constant 0 : i32
          %dma_wait3A_223 = arith.constant 0 : i32
          %dma_wait3A_224 = tpu.memref_slice %arg20[%dma_wait3A_222, %dma_wait3A_223] : memref<10240x8xf32, #tpu.memory_space<vmem_shared>> -> memref<10240x8xf32, #tpu.memory_space<vmem_shared>>
          tpu.wait_indirect_dma semaphore(%arg29 : memref<!tpu.dma_semaphore, #tpu.memory_space<semaphore_mem>>) src(%arg18 : memref<128x8xf32, #tpu.memory_space<vmem>>) dst(%dma_wait3A_224 : memref<10240x8xf32, #tpu.memory_space<vmem_shared>>)
          %dma_wait3A_225 = arith.constant 0 : i32
          %dma_wait3A_226 = arith.constant 0 : i32
          %dma_wait3A_227 = tpu.memref_slice %arg13[%dma_wait3A_225, %dma_wait3A_226] : memref<80x128xi32, #tpu.memory_space<vmem>> -> memref<1x128xi32, #tpu.memory_space<vmem>>
          %dma_wait3A_228 = tpu.memref_squeeze %dma_wait3A_227 : memref<1x128xi32, #tpu.memory_space<vmem>> -> memref<128xi32, #tpu.memory_space<vmem>>
          %dma_wait3A_229 = arith.constant 0 : i32
          %dma_wait3A_230 = arith.constant 0 : i32
          %dma_wait3A_231 = tpu.memref_slice %arg20[%dma_wait3A_229, %dma_wait3A_230] : memref<10240x8xf32, #tpu.memory_space<vmem_shared>> -> memref<10240x8xf32, #tpu.memory_space<vmem_shared>>
          tpu.wait_indirect_dma semaphore(%arg29 : memref<!tpu.dma_semaphore, #tpu.memory_space<semaphore_mem>>) src(%arg18 : memref<128x8xf32, #tpu.memory_space<vmem>>) dst(%dma_wait3A_231 : memref<10240x8xf32, #tpu.memory_space<vmem_shared>>)
        } else {
        }
        %dma_wait3A_113 = arith.constant 0 : i32
        %dma_wait3A_114 = arith.constant 0 : i32
        %dma_wait3A_115 = tpu.memref_slice %arg2[%dma_wait3A_113, %dma_wait3A_114] : memref<10000x64xf32, #tpu.memory_space<hbm>> -> memref<128x64xf32, #tpu.memory_space<hbm>>
        %dma_wait3A_116 = arith.constant 0 : i32
        %dma_wait3A_117 = arith.constant 0 : i32
        %dma_wait3A_118 = tpu.memref_slice %arg2[%dma_wait3A_116, %dma_wait3A_117] : memref<10000x64xf32, #tpu.memory_space<hbm>> -> memref<128x64xf32, #tpu.memory_space<hbm>>
        tpu.wait_dma2 semaphore(%arg21 : memref<!tpu.dma_semaphore, #tpu.memory_space<semaphore_mem>>) src(%dma_wait3A_118 : memref<128x64xf32, #tpu.memory_space<hbm>>) dst(%arg14 : memref<128x64xf32, #tpu.memory_space<vmem>>)
        %add3A = arith.constant 0 : i32
        %add3A_119 = arith.addi %mul3A_106, %add3A : i32
        %dma_start3A_120 = arith.constant 0 : i32
        %dma_start3A_121 = tpu.memref_slice %arg13[%add3A_119, %dma_start3A_120] : memref<80x128xi32, #tpu.memory_space<vmem>> -> memref<1x128xi32, #tpu.memory_space<vmem>>
        %dma_start3A_122 = tpu.memref_squeeze %dma_start3A_121 : memref<1x128xi32, #tpu.memory_space<vmem>> -> memref<128xi32, #tpu.memory_space<vmem>>
        %dma_start3A_123 = arith.constant 0 : i32
        %dma_start3A_124 = arith.constant 0 : i32
        %dma_start3A_125 = tpu.memref_slice %arg19[%dma_start3A_123, %dma_start3A_124] : memref<10240x64xf32, #tpu.memory_space<vmem_shared>> -> memref<10240x64xf32, #tpu.memory_space<vmem_shared>>
        tpu.enqueue_indirect_dma source(%arg14 : memref<128x64xf32, #tpu.memory_space<vmem>>) target(%dma_start3A_125 : memref<10240x64xf32, #tpu.memory_space<vmem_shared>>) offsets(%dma_start3A_122 : memref<128xi32, #tpu.memory_space<vmem>>) semaphore(%arg25 : memref<!tpu.dma_semaphore, #tpu.memory_space<semaphore_mem>>) {add = true}
        %ge3A = arith.constant 0 : i32
        %ge3A_126 = arith.cmpi sge, %scan3A_104, %ge3A : i32
        %lt3A_127 = arith.constant 0 : i32
        %lt3A_128 = arith.cmpi slt, %scan3A_104, %lt3A_127 : i32
        %and3A_129 = arith.andi %ge3A_126, %lt3A_128 : i1
        %convert_element_type3A_130 = arith.extui %and3A_129 : i1 to i32
        %cond3A_131 = arith.constant 0 : i32
        %cond3A_132 = arith.cmpi ne, %convert_element_type3A_130, %cond3A_131 : i32
        scf.if %cond3A_132 {
          %add3A_204 = arith.constant 0 : i32
          %add3A_205 = arith.addi %mul3A_106, %add3A_204 : i32
          %dma_start3A_206 = arith.constant 0 : i32
          %dma_start3A_207 = tpu.memref_slice %arg13[%add3A_205, %dma_start3A_206] : memref<80x128xi32, #tpu.memory_space<vmem>> -> memref<1x128xi32, #tpu.memory_space<vmem>>
          %dma_start3A_208 = tpu.memref_squeeze %dma_start3A_207 : memref<1x128xi32, #tpu.memory_space<vmem>> -> memref<128xi32, #tpu.memory_space<vmem>>
          %dma_start3A_209 = arith.constant 0 : i32
          %dma_start3A_210 = arith.constant 0 : i32
          %dma_start3A_211 = tpu.memref_slice %arg20[%dma_start3A_209, %dma_start3A_210] : memref<10240x8xf32, #tpu.memory_space<vmem_shared>> -> memref<10240x8xf32, #tpu.memory_space<vmem_shared>>
          tpu.enqueue_indirect_dma source(%arg18 : memref<128x8xf32, #tpu.memory_space<vmem>>) target(%dma_start3A_211 : memref<10240x8xf32, #tpu.memory_space<vmem_shared>>) offsets(%dma_start3A_208 : memref<128xi32, #tpu.memory_space<vmem>>) semaphore(%arg29 : memref<!tpu.dma_semaphore, #tpu.memory_space<semaphore_mem>>) {add = true}
        } else {
        }
        %dma_wait3A_133 = arith.constant 0 : i32
        %dma_wait3A_134 = arith.constant 0 : i32
        %dma_wait3A_135 = tpu.memref_slice %arg2[%dma_wait3A_133, %dma_wait3A_134] : memref<10000x64xf32, #tpu.memory_space<hbm>> -> memref<128x64xf32, #tpu.memory_space<hbm>>
        %dma_wait3A_136 = arith.constant 0 : i32
        %dma_wait3A_137 = arith.constant 0 : i32
        %dma_wait3A_138 = tpu.memref_slice %arg2[%dma_wait3A_136, %dma_wait3A_137] : memref<10000x64xf32, #tpu.memory_space<hbm>> -> memref<128x64xf32, #tpu.memory_space<hbm>>
        tpu.wait_dma2 semaphore(%arg22 : memref<!tpu.dma_semaphore, #tpu.memory_space<semaphore_mem>>) src(%dma_wait3A_138 : memref<128x64xf32, #tpu.memory_space<hbm>>) dst(%arg15 : memref<128x64xf32, #tpu.memory_space<vmem>>)
        %add3A_139 = arith.constant 1 : i32
        %add3A_140 = arith.addi %mul3A_106, %add3A_139 : i32
        %dma_start3A_141 = arith.constant 0 : i32
        %dma_start3A_142 = tpu.memref_slice %arg13[%add3A_140, %dma_start3A_141] : memref<80x128xi32, #tpu.memory_space<vmem>> -> memref<1x128xi32, #tpu.memory_space<vmem>>
        %dma_start3A_143 = tpu.memref_squeeze %dma_start3A_142 : memref<1x128xi32, #tpu.memory_space<vmem>> -> memref<128xi32, #tpu.memory_space<vmem>>
        %dma_start3A_144 = arith.constant 0 : i32
        %dma_start3A_145 = arith.constant 0 : i32
        %dma_start3A_146 = tpu.memref_slice %arg19[%dma_start3A_144, %dma_start3A_145] : memref<10240x64xf32, #tpu.memory_space<vmem_shared>> -> memref<10240x64xf32, #tpu.memory_space<vmem_shared>>
        tpu.enqueue_indirect_dma source(%arg15 : memref<128x64xf32, #tpu.memory_space<vmem>>) target(%dma_start3A_146 : memref<10240x64xf32, #tpu.memory_space<vmem_shared>>) offsets(%dma_start3A_143 : memref<128xi32, #tpu.memory_space<vmem>>) semaphore(%arg26 : memref<!tpu.dma_semaphore, #tpu.memory_space<semaphore_mem>>) {add = true}
        %ge3A_147 = arith.constant 0 : i32
        %ge3A_148 = arith.cmpi sge, %scan3A_104, %ge3A_147 : i32
        %lt3A_149 = arith.constant 0 : i32
        %lt3A_150 = arith.cmpi slt, %scan3A_104, %lt3A_149 : i32
        %and3A_151 = arith.andi %ge3A_148, %lt3A_150 : i1
        %convert_element_type3A_152 = arith.extui %and3A_151 : i1 to i32
        %cond3A_153 = arith.constant 0 : i32
        %cond3A_154 = arith.cmpi ne, %convert_element_type3A_152, %cond3A_153 : i32
        scf.if %cond3A_154 {
          %add3A_204 = arith.constant 1 : i32
          %add3A_205 = arith.addi %mul3A_106, %add3A_204 : i32
          %dma_start3A_206 = arith.constant 0 : i32
          %dma_start3A_207 = tpu.memref_slice %arg13[%add3A_205, %dma_start3A_206] : memref<80x128xi32, #tpu.memory_space<vmem>> -> memref<1x128xi32, #tpu.memory_space<vmem>>
          %dma_start3A_208 = tpu.memref_squeeze %dma_start3A_207 : memref<1x128xi32, #tpu.memory_space<vmem>> -> memref<128xi32, #tpu.memory_space<vmem>>
          %dma_start3A_209 = arith.constant 0 : i32
          %dma_start3A_210 = arith.constant 0 : i32
          %dma_start3A_211 = tpu.memref_slice %arg20[%dma_start3A_209, %dma_start3A_210] : memref<10240x8xf32, #tpu.memory_space<vmem_shared>> -> memref<10240x8xf32, #tpu.memory_space<vmem_shared>>
          tpu.enqueue_indirect_dma source(%arg18 : memref<128x8xf32, #tpu.memory_space<vmem>>) target(%dma_start3A_211 : memref<10240x8xf32, #tpu.memory_space<vmem_shared>>) offsets(%dma_start3A_208 : memref<128xi32, #tpu.memory_space<vmem>>) semaphore(%arg29 : memref<!tpu.dma_semaphore, #tpu.memory_space<semaphore_mem>>) {add = true}
        } else {
        }
        %dma_wait3A_155 = arith.constant 0 : i32
        %dma_wait3A_156 = arith.constant 0 : i32
        %dma_wait3A_157 = tpu.memref_slice %arg2[%dma_wait3A_155, %dma_wait3A_156] : memref<10000x64xf32, #tpu.memory_space<hbm>> -> memref<128x64xf32, #tpu.memory_space<hbm>>
        %dma_wait3A_158 = arith.constant 0 : i32
        %dma_wait3A_159 = arith.constant 0 : i32
        %dma_wait3A_160 = tpu.memref_slice %arg2[%dma_wait3A_158, %dma_wait3A_159] : memref<10000x64xf32, #tpu.memory_space<hbm>> -> memref<128x64xf32, #tpu.memory_space<hbm>>
        tpu.wait_dma2 semaphore(%arg23 : memref<!tpu.dma_semaphore, #tpu.memory_space<semaphore_mem>>) src(%dma_wait3A_160 : memref<128x64xf32, #tpu.memory_space<hbm>>) dst(%arg16 : memref<128x64xf32, #tpu.memory_space<vmem>>)
        %add3A_161 = arith.constant 2 : i32
        %add3A_162 = arith.addi %mul3A_106, %add3A_161 : i32
        %dma_start3A_163 = arith.constant 0 : i32
        %dma_start3A_164 = tpu.memref_slice %arg13[%add3A_162, %dma_start3A_163] : memref<80x128xi32, #tpu.memory_space<vmem>> -> memref<1x128xi32, #tpu.memory_space<vmem>>
        %dma_start3A_165 = tpu.memref_squeeze %dma_start3A_164 : memref<1x128xi32, #tpu.memory_space<vmem>> -> memref<128xi32, #tpu.memory_space<vmem>>
        %dma_start3A_166 = arith.constant 0 : i32
        %dma_start3A_167 = arith.constant 0 : i32
        %dma_start3A_168 = tpu.memref_slice %arg19[%dma_start3A_166, %dma_start3A_167] : memref<10240x64xf32, #tpu.memory_space<vmem_shared>> -> memref<10240x64xf32, #tpu.memory_space<vmem_shared>>
        tpu.enqueue_indirect_dma source(%arg16 : memref<128x64xf32, #tpu.memory_space<vmem>>) target(%dma_start3A_168 : memref<10240x64xf32, #tpu.memory_space<vmem_shared>>) offsets(%dma_start3A_165 : memref<128xi32, #tpu.memory_space<vmem>>) semaphore(%arg27 : memref<!tpu.dma_semaphore, #tpu.memory_space<semaphore_mem>>) {add = true}
        %ge3A_169 = arith.constant 0 : i32
        %ge3A_170 = arith.cmpi sge, %scan3A_104, %ge3A_169 : i32
        %lt3A_171 = arith.constant 0 : i32
        %lt3A_172 = arith.cmpi slt, %scan3A_104, %lt3A_171 : i32
        %and3A_173 = arith.andi %ge3A_170, %lt3A_172 : i1
        %convert_element_type3A_174 = arith.extui %and3A_173 : i1 to i32
        %cond3A_175 = arith.constant 0 : i32
        %cond3A_176 = arith.cmpi ne, %convert_element_type3A_174, %cond3A_175 : i32
        scf.if %cond3A_176 {
          %add3A_204 = arith.constant 2 : i32
          %add3A_205 = arith.addi %mul3A_106, %add3A_204 : i32
          %dma_start3A_206 = arith.constant 0 : i32
          %dma_start3A_207 = tpu.memref_slice %arg13[%add3A_205, %dma_start3A_206] : memref<80x128xi32, #tpu.memory_space<vmem>> -> memref<1x128xi32, #tpu.memory_space<vmem>>
          %dma_start3A_208 = tpu.memref_squeeze %dma_start3A_207 : memref<1x128xi32, #tpu.memory_space<vmem>> -> memref<128xi32, #tpu.memory_space<vmem>>
          %dma_start3A_209 = arith.constant 0 : i32
          %dma_start3A_210 = arith.constant 0 : i32
          %dma_start3A_211 = tpu.memref_slice %arg20[%dma_start3A_209, %dma_start3A_210] : memref<10240x8xf32, #tpu.memory_space<vmem_shared>> -> memref<10240x8xf32, #tpu.memory_space<vmem_shared>>
          tpu.enqueue_indirect_dma source(%arg18 : memref<128x8xf32, #tpu.memory_space<vmem>>) target(%dma_start3A_211 : memref<10240x8xf32, #tpu.memory_space<vmem_shared>>) offsets(%dma_start3A_208 : memref<128xi32, #tpu.memory_space<vmem>>) semaphore(%arg29 : memref<!tpu.dma_semaphore, #tpu.memory_space<semaphore_mem>>) {add = true}
        } else {
        }
        %dma_wait3A_177 = arith.constant 0 : i32
        %dma_wait3A_178 = arith.constant 0 : i32
        %dma_wait3A_179 = tpu.memref_slice %arg2[%dma_wait3A_177, %dma_wait3A_178] : memref<10000x64xf32, #tpu.memory_space<hbm>> -> memref<128x64xf32, #tpu.memory_space<hbm>>
        %dma_wait3A_180 = arith.constant 0 : i32
        %dma_wait3A_181 = arith.constant 0 : i32
        %dma_wait3A_182 = tpu.memref_slice %arg2[%dma_wait3A_180, %dma_wait3A_181] : memref<10000x64xf32, #tpu.memory_space<hbm>> -> memref<128x64xf32, #tpu.memory_space<hbm>>
        tpu.wait_dma2 semaphore(%arg24 : memref<!tpu.dma_semaphore, #tpu.memory_space<semaphore_mem>>) src(%dma_wait3A_182 : memref<128x64xf32, #tpu.memory_space<hbm>>) dst(%arg17 : memref<128x64xf32, #tpu.memory_space<vmem>>)
        %add3A_183 = arith.constant 3 : i32
        %add3A_184 = arith.addi %mul3A_106, %add3A_183 : i32
        %dma_start3A_185 = arith.constant 0 : i32
        %dma_start3A_186 = tpu.memref_slice %arg13[%add3A_184, %dma_start3A_185] : memref<80x128xi32, #tpu.memory_space<vmem>> -> memref<1x128xi32, #tpu.memory_space<vmem>>
        %dma_start3A_187 = tpu.memref_squeeze %dma_start3A_186 : memref<1x128xi32, #tpu.memory_space<vmem>> -> memref<128xi32, #tpu.memory_space<vmem>>
        %dma_start3A_188 = arith.constant 0 : i32
        %dma_start3A_189 = arith.constant 0 : i32
        %dma_start3A_190 = tpu.memref_slice %arg19[%dma_start3A_188, %dma_start3A_189] : memref<10240x64xf32, #tpu.memory_space<vmem_shared>> -> memref<10240x64xf32, #tpu.memory_space<vmem_shared>>
        tpu.enqueue_indirect_dma source(%arg17 : memref<128x64xf32, #tpu.memory_space<vmem>>) target(%dma_start3A_190 : memref<10240x64xf32, #tpu.memory_space<vmem_shared>>) offsets(%dma_start3A_187 : memref<128xi32, #tpu.memory_space<vmem>>) semaphore(%arg28 : memref<!tpu.dma_semaphore, #tpu.memory_space<semaphore_mem>>) {add = true}
        %ge3A_191 = arith.constant 0 : i32
        %ge3A_192 = arith.cmpi sge, %scan3A_104, %ge3A_191 : i32
        %lt3A_193 = arith.constant 0 : i32
        %lt3A_194 = arith.cmpi slt, %scan3A_104, %lt3A_193 : i32
        %and3A_195 = arith.andi %ge3A_192, %lt3A_194 : i1
        %convert_element_type3A_196 = arith.extui %and3A_195 : i1 to i32
        %cond3A_197 = arith.constant 0 : i32
        %cond3A_198 = arith.cmpi ne, %convert_element_type3A_196, %cond3A_197 : i32
        scf.if %cond3A_198 {
          %add3A_204 = arith.constant 3 : i32
          %add3A_205 = arith.addi %mul3A_106, %add3A_204 : i32
          %dma_start3A_206 = arith.constant 0 : i32
          %dma_start3A_207 = tpu.memref_slice %arg13[%add3A_205, %dma_start3A_206] : memref<80x128xi32, #tpu.memory_space<vmem>> -> memref<1x128xi32, #tpu.memory_space<vmem>>
          %dma_start3A_208 = tpu.memref_squeeze %dma_start3A_207 : memref<1x128xi32, #tpu.memory_space<vmem>> -> memref<128xi32, #tpu.memory_space<vmem>>
          %dma_start3A_209 = arith.constant 0 : i32
          %dma_start3A_210 = arith.constant 0 : i32
          %dma_start3A_211 = tpu.memref_slice %arg20[%dma_start3A_209, %dma_start3A_210] : memref<10240x8xf32, #tpu.memory_space<vmem_shared>> -> memref<10240x8xf32, #tpu.memory_space<vmem_shared>>
          tpu.enqueue_indirect_dma source(%arg18 : memref<128x8xf32, #tpu.memory_space<vmem>>) target(%dma_start3A_211 : memref<10240x8xf32, #tpu.memory_space<vmem_shared>>) offsets(%dma_start3A_208 : memref<128xi32, #tpu.memory_space<vmem>>) semaphore(%arg29 : memref<!tpu.dma_semaphore, #tpu.memory_space<semaphore_mem>>) {add = true}
        } else {
        }
        %lt3A_199 = arith.constant 19 : i32
        %lt3A_200 = arith.cmpi slt, %scan3A_104, %lt3A_199 : i32
        %convert_element_type3A_201 = arith.extui %lt3A_200 : i1 to i32
        %cond3A_202 = arith.constant 0 : i32
        %cond3A_203 = arith.cmpi ne, %convert_element_type3A_201, %cond3A_202 : i32
        scf.if %cond3A_203 {
          %dma_wait3A_204 = arith.constant 0 : i32
          %dma_wait3A_205 = arith.constant 0 : i32
          %dma_wait3A_206 = tpu.memref_slice %arg13[%dma_wait3A_204, %dma_wait3A_205] : memref<80x128xi32, #tpu.memory_space<vmem>> -> memref<1x128xi32, #tpu.memory_space<vmem>>
          %dma_wait3A_207 = tpu.memref_squeeze %dma_wait3A_206 : memref<1x128xi32, #tpu.memory_space<vmem>> -> memref<128xi32, #tpu.memory_space<vmem>>
          %dma_wait3A_208 = arith.constant 0 : i32
          %dma_wait3A_209 = arith.constant 0 : i32
          %dma_wait3A_210 = tpu.memref_slice %arg19[%dma_wait3A_208, %dma_wait3A_209] : memref<10240x64xf32, #tpu.memory_space<vmem_shared>> -> memref<10240x64xf32, #tpu.memory_space<vmem_shared>>
          tpu.wait_indirect_dma semaphore(%arg25 : memref<!tpu.dma_semaphore, #tpu.memory_space<semaphore_mem>>) src(%arg14 : memref<128x64xf32, #tpu.memory_space<vmem>>) dst(%dma_wait3A_210 : memref<10240x64xf32, #tpu.memory_space<vmem_shared>>)
          %add3A_211 = arith.constant 4 : i32
          %add3A_212 = arith.addi %mul3A_106, %add3A_211 : i32
          %add3A_213 = arith.constant 0 : i32
          %add3A_214 = arith.addi %add3A_212, %add3A_213 : i32
          %dma_start3A_215 = arith.constant 0 : i32
          %dma_start3A_216 = tpu.memref_slice %arg12[%add3A_214, %dma_start3A_215] : memref<80x128xi32, #tpu.memory_space<vmem>> -> memref<1x128xi32, #tpu.memory_space<vmem>>
          %dma_start3A_217 = tpu.memref_squeeze %dma_start3A_216 : memref<1x128xi32, #tpu.memory_space<vmem>> -> memref<128xi32, #tpu.memory_space<vmem>>
          %dma_start3A_218 = arith.constant 0 : i32
          %dma_start3A_219 = arith.constant 0 : i32
          %dma_start3A_220 = tpu.memref_slice %arg2[%dma_start3A_218, %dma_start3A_219] : memref<10000x64xf32, #tpu.memory_space<hbm>> -> memref<10000x64xf32, #tpu.memory_space<hbm>>
          tpu.enqueue_indirect_dma source(%dma_start3A_220 : memref<10000x64xf32, #tpu.memory_space<hbm>>) target(%arg14 : memref<128x64xf32, #tpu.memory_space<vmem>>) offsets(%dma_start3A_217 : memref<128xi32, #tpu.memory_space<vmem>>) semaphore(%arg21 : memref<!tpu.dma_semaphore, #tpu.memory_space<semaphore_mem>>)
          %dma_wait3A_221 = arith.constant 0 : i32
          %dma_wait3A_222 = arith.constant 0 : i32
          %dma_wait3A_223 = tpu.memref_slice %arg13[%dma_wait3A_221, %dma_wait3A_222] : memref<80x128xi32, #tpu.memory_space<vmem>> -> memref<1x128xi32, #tpu.memory_space<vmem>>
          %dma_wait3A_224 = tpu.memref_squeeze %dma_wait3A_223 : memref<1x128xi32, #tpu.memory_space<vmem>> -> memref<128xi32, #tpu.memory_space<vmem>>
          %dma_wait3A_225 = arith.constant 0 : i32
          %dma_wait3A_226 = arith.constant 0 : i32
          %dma_wait3A_227 = tpu.memref_slice %arg19[%dma_wait3A_225, %dma_wait3A_226] : memref<10240x64xf32, #tpu.memory_space<vmem_shared>> -> memref<10240x64xf32, #tpu.memory_space<vmem_shared>>
          tpu.wait_indirect_dma semaphore(%arg26 : memref<!tpu.dma_semaphore, #tpu.memory_space<semaphore_mem>>) src(%arg15 : memref<128x64xf32, #tpu.memory_space<vmem>>) dst(%dma_wait3A_227 : memref<10240x64xf32, #tpu.memory_space<vmem_shared>>)
          %add3A_228 = arith.constant 4 : i32
          %add3A_229 = arith.addi %mul3A_106, %add3A_228 : i32
          %add3A_230 = arith.constant 1 : i32
          %add3A_231 = arith.addi %add3A_229, %add3A_230 : i32
          %dma_start3A_232 = arith.constant 0 : i32
          %dma_start3A_233 = tpu.memref_slice %arg12[%add3A_231, %dma_start3A_232] : memref<80x128xi32, #tpu.memory_space<vmem>> -> memref<1x128xi32, #tpu.memory_space<vmem>>
          %dma_start3A_234 = tpu.memref_squeeze %dma_start3A_233 : memref<1x128xi32, #tpu.memory_space<vmem>> -> memref<128xi32, #tpu.memory_space<vmem>>
          %dma_start3A_235 = arith.constant 0 : i32
          %dma_start3A_236 = arith.constant 0 : i32
          %dma_start3A_237 = tpu.memref_slice %arg2[%dma_start3A_235, %dma_start3A_236] : memref<10000x64xf32, #tpu.memory_space<hbm>> -> memref<10000x64xf32, #tpu.memory_space<hbm>>
          tpu.enqueue_indirect_dma source(%dma_start3A_237 : memref<10000x64xf32, #tpu.memory_space<hbm>>) target(%arg15 : memref<128x64xf32, #tpu.memory_space<vmem>>) offsets(%dma_start3A_234 : memref<128xi32, #tpu.memory_space<vmem>>) semaphore(%arg22 : memref<!tpu.dma_semaphore, #tpu.memory_space<semaphore_mem>>)
          %dma_wait3A_238 = arith.constant 0 : i32
          %dma_wait3A_239 = arith.constant 0 : i32
          %dma_wait3A_240 = tpu.memref_slice %arg13[%dma_wait3A_238, %dma_wait3A_239] : memref<80x128xi32, #tpu.memory_space<vmem>> -> memref<1x128xi32, #tpu.memory_space<vmem>>
          %dma_wait3A_241 = tpu.memref_squeeze %dma_wait3A_240 : memref<1x128xi32, #tpu.memory_space<vmem>> -> memref<128xi32, #tpu.memory_space<vmem>>
          %dma_wait3A_242 = arith.constant 0 : i32
          %dma_wait3A_243 = arith.constant 0 : i32
          %dma_wait3A_244 = tpu.memref_slice %arg19[%dma_wait3A_242, %dma_wait3A_243] : memref<10240x64xf32, #tpu.memory_space<vmem_shared>> -> memref<10240x64xf32, #tpu.memory_space<vmem_shared>>
          tpu.wait_indirect_dma semaphore(%arg27 : memref<!tpu.dma_semaphore, #tpu.memory_space<semaphore_mem>>) src(%arg16 : memref<128x64xf32, #tpu.memory_space<vmem>>) dst(%dma_wait3A_244 : memref<10240x64xf32, #tpu.memory_space<vmem_shared>>)
          %add3A_245 = arith.constant 4 : i32
          %add3A_246 = arith.addi %mul3A_106, %add3A_245 : i32
          %add3A_247 = arith.constant 2 : i32
          %add3A_248 = arith.addi %add3A_246, %add3A_247 : i32
          %dma_start3A_249 = arith.constant 0 : i32
          %dma_start3A_250 = tpu.memref_slice %arg12[%add3A_248, %dma_start3A_249] : memref<80x128xi32, #tpu.memory_space<vmem>> -> memref<1x128xi32, #tpu.memory_space<vmem>>
          %dma_start3A_251 = tpu.memref_squeeze %dma_start3A_250 : memref<1x128xi32, #tpu.memory_space<vmem>> -> memref<128xi32, #tpu.memory_space<vmem>>
          %dma_start3A_252 = arith.constant 0 : i32
          %dma_start3A_253 = arith.constant 0 : i32
          %dma_start3A_254 = tpu.memref_slice %arg2[%dma_start3A_252, %dma_start3A_253] : memref<10000x64xf32, #tpu.memory_space<hbm>> -> memref<10000x64xf32, #tpu.memory_space<hbm>>
          tpu.enqueue_indirect_dma source(%dma_start3A_254 : memref<10000x64xf32, #tpu.memory_space<hbm>>) target(%arg16 : memref<128x64xf32, #tpu.memory_space<vmem>>) offsets(%dma_start3A_251 : memref<128xi32, #tpu.memory_space<vmem>>) semaphore(%arg23 : memref<!tpu.dma_semaphore, #tpu.memory_space<semaphore_mem>>)
          %dma_wait3A_255 = arith.constant 0 : i32
          %dma_wait3A_256 = arith.constant 0 : i32
          %dma_wait3A_257 = tpu.memref_slice %arg13[%dma_wait3A_255, %dma_wait3A_256] : memref<80x128xi32, #tpu.memory_space<vmem>> -> memref<1x128xi32, #tpu.memory_space<vmem>>
          %dma_wait3A_258 = tpu.memref_squeeze %dma_wait3A_257 : memref<1x128xi32, #tpu.memory_space<vmem>> -> memref<128xi32, #tpu.memory_space<vmem>>
          %dma_wait3A_259 = arith.constant 0 : i32
          %dma_wait3A_260 = arith.constant 0 : i32
          %dma_wait3A_261 = tpu.memref_slice %arg19[%dma_wait3A_259, %dma_wait3A_260] : memref<10240x64xf32, #tpu.memory_space<vmem_shared>> -> memref<10240x64xf32, #tpu.memory_space<vmem_shared>>
          tpu.wait_indirect_dma semaphore(%arg28 : memref<!tpu.dma_semaphore, #tpu.memory_space<semaphore_mem>>) src(%arg17 : memref<128x64xf32, #tpu.memory_space<vmem>>) dst(%dma_wait3A_261 : memref<10240x64xf32, #tpu.memory_space<vmem_shared>>)
          %add3A_262 = arith.constant 4 : i32
          %add3A_263 = arith.addi %mul3A_106, %add3A_262 : i32
          %add3A_264 = arith.constant 3 : i32
          %add3A_265 = arith.addi %add3A_263, %add3A_264 : i32
          %dma_start3A_266 = arith.constant 0 : i32
          %dma_start3A_267 = tpu.memref_slice %arg12[%add3A_265, %dma_start3A_266] : memref<80x128xi32, #tpu.memory_space<vmem>> -> memref<1x128xi32, #tpu.memory_space<vmem>>
          %dma_start3A_268 = tpu.memref_squeeze %dma_start3A_267 : memref<1x128xi32, #tpu.memory_space<vmem>> -> memref<128xi32, #tpu.memory_space<vmem>>
          %dma_start3A_269 = arith.constant 0 : i32
          %dma_start3A_270 = arith.constant 0 : i32
          %dma_start3A_271 = tpu.memref_slice %arg2[%dma_start3A_269, %dma_start3A_270] : memref<10000x64xf32, #tpu.memory_space<hbm>> -> memref<10000x64xf32, #tpu.memory_space<hbm>>
          tpu.enqueue_indirect_dma source(%dma_start3A_271 : memref<10000x64xf32, #tpu.memory_space<hbm>>) target(%arg17 : memref<128x64xf32, #tpu.memory_space<vmem>>) offsets(%dma_start3A_268 : memref<128xi32, #tpu.memory_space<vmem>>) semaphore(%arg24 : memref<!tpu.dma_semaphore, #tpu.memory_space<semaphore_mem>>)
        } else {
        }
      }
      %scan3A_75 = arith.constant 20 : i32
      %dma_wait3A_76 = arith.constant 0 : i32
      %dma_wait3A_77 = arith.constant 0 : i32
      %dma_wait3A_78 = tpu.memref_slice %arg13[%dma_wait3A_76, %dma_wait3A_77] : memref<80x128xi32, #tpu.memory_space<vmem>> -> memref<1x128xi32, #tpu.memory_space<vmem>>
      %dma_wait3A_79 = tpu.memref_squeeze %dma_wait3A_78 : memref<1x128xi32, #tpu.memory_space<vmem>> -> memref<128xi32, #tpu.memory_space<vmem>>
      %dma_wait3A_80 = arith.constant 0 : i32
      %dma_wait3A_81 = arith.constant 0 : i32
      %dma_wait3A_82 = tpu.memref_slice %arg19[%dma_wait3A_80, %dma_wait3A_81] : memref<10240x64xf32, #tpu.memory_space<vmem_shared>> -> memref<10240x64xf32, #tpu.memory_space<vmem_shared>>
      tpu.wait_indirect_dma semaphore(%arg25 : memref<!tpu.dma_semaphore, #tpu.memory_space<semaphore_mem>>) src(%arg14 : memref<128x64xf32, #tpu.memory_space<vmem>>) dst(%dma_wait3A_82 : memref<10240x64xf32, #tpu.memory_space<vmem_shared>>)
      %dma_wait3A_83 = arith.constant 0 : i32
      %dma_wait3A_84 = arith.constant 0 : i32
      %dma_wait3A_85 = tpu.memref_slice %arg13[%dma_wait3A_83, %dma_wait3A_84] : memref<80x128xi32, #tpu.memory_space<vmem>> -> memref<1x128xi32, #tpu.memory_space<vmem>>
      %dma_wait3A_86 = tpu.memref_squeeze %dma_wait3A_85 : memref<1x128xi32, #tpu.memory_space<vmem>> -> memref<128xi32, #tpu.memory_space<vmem>>
      %dma_wait3A_87 = arith.constant 0 : i32
      %dma_wait3A_88 = arith.constant 0 : i32
      %dma_wait3A_89 = tpu.memref_slice %arg19[%dma_wait3A_87, %dma_wait3A_88] : memref<10240x64xf32, #tpu.memory_space<vmem_shared>> -> memref<10240x64xf32, #tpu.memory_space<vmem_shared>>
      tpu.wait_indirect_dma semaphore(%arg26 : memref<!tpu.dma_semaphore, #tpu.memory_space<semaphore_mem>>) src(%arg15 : memref<128x64xf32, #tpu.memory_space<vmem>>) dst(%dma_wait3A_89 : memref<10240x64xf32, #tpu.memory_space<vmem_shared>>)
      %dma_wait3A_90 = arith.constant 0 : i32
      %dma_wait3A_91 = arith.constant 0 : i32
      %dma_wait3A_92 = tpu.memref_slice %arg13[%dma_wait3A_90, %dma_wait3A_91] : memref<80x128xi32, #tpu.memory_space<vmem>> -> memref<1x128xi32, #tpu.memory_space<vmem>>
      %dma_wait3A_93 = tpu.memref_squeeze %dma_wait3A_92 : memref<1x128xi32, #tpu.memory_space<vmem>> -> memref<128xi32, #tpu.memory_space<vmem>>
      %dma_wait3A_94 = arith.constant 0 : i32
      %dma_wait3A_95 = arith.constant 0 : i32
      %dma_wait3A_96 = tpu.memref_slice %arg19[%dma_wait3A_94, %dma_wait3A_95] : memref<10240x64xf32, #tpu.memory_space<vmem_shared>> -> memref<10240x64xf32, #tpu.memory_space<vmem_shared>>
      tpu.wait_indirect_dma semaphore(%arg27 : memref<!tpu.dma_semaphore, #tpu.memory_space<semaphore_mem>>) src(%arg16 : memref<128x64xf32, #tpu.memory_space<vmem>>) dst(%dma_wait3A_96 : memref<10240x64xf32, #tpu.memory_space<vmem_shared>>)
      %dma_wait3A_97 = arith.constant 0 : i32
      %dma_wait3A_98 = arith.constant 0 : i32
      %dma_wait3A_99 = tpu.memref_slice %arg13[%dma_wait3A_97, %dma_wait3A_98] : memref<80x128xi32, #tpu.memory_space<vmem>> -> memref<1x128xi32, #tpu.memory_space<vmem>>
      %dma_wait3A_100 = tpu.memref_squeeze %dma_wait3A_99 : memref<1x128xi32, #tpu.memory_space<vmem>> -> memref<128xi32, #tpu.memory_space<vmem>>
      %dma_wait3A_101 = arith.constant 0 : i32
      %dma_wait3A_102 = arith.constant 0 : i32
      %dma_wait3A_103 = tpu.memref_slice %arg19[%dma_wait3A_101, %dma_wait3A_102] : memref<10240x64xf32, #tpu.memory_space<vmem_shared>> -> memref<10240x64xf32, #tpu.memory_space<vmem_shared>>
      tpu.wait_indirect_dma semaphore(%arg28 : memref<!tpu.dma_semaphore, #tpu.memory_space<semaphore_mem>>) src(%arg17 : memref<128x64xf32, #tpu.memory_space<vmem>>) dst(%dma_wait3A_103 : memref<10240x64xf32, #tpu.memory_space<vmem_shared>>)
    } else {
    }
    %eq3A_28 = arith.constant 1 : i32
    %eq3A_29 = arith.cmpi eq, %arg0, %eq3A_28 : i32
    %convert_element_type3A_30 = arith.extui %eq3A_29 : i1 to i32
    %cond3A_31 = arith.constant 0 : i32
    %cond3A_32 = arith.cmpi ne, %convert_element_type3A_30, %cond3A_31 : i32
    scf.if %cond3A_32 {
      %dma_start3A_43 = arith.constant 0 : i32
      %dma_start3A_44 = arith.constant 0 : i32
      %dma_start3A_45 = tpu.memref_slice %arg12[%dma_start3A_43, %dma_start3A_44] : memref<80x128xi32, #tpu.memory_space<vmem>> -> memref<1x128xi32, #tpu.memory_space<vmem>>
      %dma_start3A_46 = tpu.memref_squeeze %dma_start3A_45 : memref<1x128xi32, #tpu.memory_space<vmem>> -> memref<128xi32, #tpu.memory_space<vmem>>
      %dma_start3A_47 = arith.constant 0 : i32
      %dma_start3A_48 = arith.constant 0 : i32
      %dma_start3A_49 = tpu.memref_slice %arg3[%dma_start3A_47, %dma_start3A_48] : memref<10000x64xf32, #tpu.memory_space<hbm>> -> memref<10000x64xf32, #tpu.memory_space<hbm>>
      tpu.enqueue_indirect_dma source(%dma_start3A_49 : memref<10000x64xf32, #tpu.memory_space<hbm>>) target(%arg14 : memref<128x64xf32, #tpu.memory_space<vmem>>) offsets(%dma_start3A_46 : memref<128xi32, #tpu.memory_space<vmem>>) semaphore(%arg21 : memref<!tpu.dma_semaphore, #tpu.memory_space<semaphore_mem>>)
      %dma_start3A_50 = arith.constant 1 : i32
      %dma_start3A_51 = arith.constant 0 : i32
      %dma_start3A_52 = tpu.memref_slice %arg12[%dma_start3A_50, %dma_start3A_51] : memref<80x128xi32, #tpu.memory_space<vmem>> -> memref<1x128xi32, #tpu.memory_space<vmem>>
      %dma_start3A_53 = tpu.memref_squeeze %dma_start3A_52 : memref<1x128xi32, #tpu.memory_space<vmem>> -> memref<128xi32, #tpu.memory_space<vmem>>
      %dma_start3A_54 = arith.constant 0 : i32
      %dma_start3A_55 = arith.constant 0 : i32
      %dma_start3A_56 = tpu.memref_slice %arg3[%dma_start3A_54, %dma_start3A_55] : memref<10000x64xf32, #tpu.memory_space<hbm>> -> memref<10000x64xf32, #tpu.memory_space<hbm>>
      tpu.enqueue_indirect_dma source(%dma_start3A_56 : memref<10000x64xf32, #tpu.memory_space<hbm>>) target(%arg15 : memref<128x64xf32, #tpu.memory_space<vmem>>) offsets(%dma_start3A_53 : memref<128xi32, #tpu.memory_space<vmem>>) semaphore(%arg22 : memref<!tpu.dma_semaphore, #tpu.memory_space<semaphore_mem>>)
      %dma_start3A_57 = arith.constant 2 : i32
      %dma_start3A_58 = arith.constant 0 : i32
      %dma_start3A_59 = tpu.memref_slice %arg12[%dma_start3A_57, %dma_start3A_58] : memref<80x128xi32, #tpu.memory_space<vmem>> -> memref<1x128xi32, #tpu.memory_space<vmem>>
      %dma_start3A_60 = tpu.memref_squeeze %dma_start3A_59 : memref<1x128xi32, #tpu.memory_space<vmem>> -> memref<128xi32, #tpu.memory_space<vmem>>
      %dma_start3A_61 = arith.constant 0 : i32
      %dma_start3A_62 = arith.constant 0 : i32
      %dma_start3A_63 = tpu.memref_slice %arg3[%dma_start3A_61, %dma_start3A_62] : memref<10000x64xf32, #tpu.memory_space<hbm>> -> memref<10000x64xf32, #tpu.memory_space<hbm>>
      tpu.enqueue_indirect_dma source(%dma_start3A_63 : memref<10000x64xf32, #tpu.memory_space<hbm>>) target(%arg16 : memref<128x64xf32, #tpu.memory_space<vmem>>) offsets(%dma_start3A_60 : memref<128xi32, #tpu.memory_space<vmem>>) semaphore(%arg23 : memref<!tpu.dma_semaphore, #tpu.memory_space<semaphore_mem>>)
      %dma_start3A_64 = arith.constant 3 : i32
      %dma_start3A_65 = arith.constant 0 : i32
      %dma_start3A_66 = tpu.memref_slice %arg12[%dma_start3A_64, %dma_start3A_65] : memref<80x128xi32, #tpu.memory_space<vmem>> -> memref<1x128xi32, #tpu.memory_space<vmem>>
      %dma_start3A_67 = tpu.memref_squeeze %dma_start3A_66 : memref<1x128xi32, #tpu.memory_space<vmem>> -> memref<128xi32, #tpu.memory_space<vmem>>
      %dma_start3A_68 = arith.constant 0 : i32
      %dma_start3A_69 = arith.constant 0 : i32
      %dma_start3A_70 = tpu.memref_slice %arg3[%dma_start3A_68, %dma_start3A_69] : memref<10000x64xf32, #tpu.memory_space<hbm>> -> memref<10000x64xf32, #tpu.memory_space<hbm>>
      tpu.enqueue_indirect_dma source(%dma_start3A_70 : memref<10000x64xf32, #tpu.memory_space<hbm>>) target(%arg17 : memref<128x64xf32, #tpu.memory_space<vmem>>) offsets(%dma_start3A_67 : memref<128xi32, #tpu.memory_space<vmem>>) semaphore(%arg24 : memref<!tpu.dma_semaphore, #tpu.memory_space<semaphore_mem>>)
      %scan3A = arith.constant 0 : i32
      %scan3A_71 = arith.constant 0 : i32
      %scan3A_72 = arith.constant 20 : i32
      %scan3A_73 = arith.addi %scan3A_71, %scan3A_72 : i32
      %scan3A_74 = arith.constant 1 : i32
      scf.for %scan3A_132 = %scan3A_71 to %scan3A_73 step %scan3A_74  : i32 {
        %mul3A_133 = arith.constant 4 : i32
        %mul3A_134 = arith.muli %mul3A_133, %scan3A_132 : i32
        %gt3A = arith.constant 0 : i32
        %gt3A_135 = arith.cmpi sgt, %scan3A_132, %gt3A : i32
        %lt3A_136 = arith.constant 20 : i32
        %lt3A_137 = arith.cmpi slt, %scan3A_132, %lt3A_136 : i32
        %and3A = arith.andi %gt3A_135, %lt3A_137 : i1
        %convert_element_type3A_138 = arith.extui %and3A : i1 to i32
        %cond3A_139 = arith.constant 0 : i32
        %cond3A_140 = arith.cmpi ne, %convert_element_type3A_138, %cond3A_139 : i32
        scf.if %cond3A_140 {
          %dma_wait3A_232 = arith.constant 0 : i32
          %dma_wait3A_233 = arith.constant 0 : i32
          %dma_wait3A_234 = tpu.memref_slice %arg13[%dma_wait3A_232, %dma_wait3A_233] : memref<80x128xi32, #tpu.memory_space<vmem>> -> memref<1x128xi32, #tpu.memory_space<vmem>>
          %dma_wait3A_235 = tpu.memref_squeeze %dma_wait3A_234 : memref<1x128xi32, #tpu.memory_space<vmem>> -> memref<128xi32, #tpu.memory_space<vmem>>
          %dma_wait3A_236 = arith.constant 0 : i32
          %dma_wait3A_237 = arith.constant 0 : i32
          %dma_wait3A_238 = tpu.memref_slice %arg20[%dma_wait3A_236, %dma_wait3A_237] : memref<10240x8xf32, #tpu.memory_space<vmem_shared>> -> memref<10240x8xf32, #tpu.memory_space<vmem_shared>>
          tpu.wait_indirect_dma semaphore(%arg29 : memref<!tpu.dma_semaphore, #tpu.memory_space<semaphore_mem>>) src(%arg18 : memref<128x8xf32, #tpu.memory_space<vmem>>) dst(%dma_wait3A_238 : memref<10240x8xf32, #tpu.memory_space<vmem_shared>>)
          %dma_wait3A_239 = arith.constant 0 : i32
          %dma_wait3A_240 = arith.constant 0 : i32
          %dma_wait3A_241 = tpu.memref_slice %arg13[%dma_wait3A_239, %dma_wait3A_240] : memref<80x128xi32, #tpu.memory_space<vmem>> -> memref<1x128xi32, #tpu.memory_space<vmem>>
          %dma_wait3A_242 = tpu.memref_squeeze %dma_wait3A_241 : memref<1x128xi32, #tpu.memory_space<vmem>> -> memref<128xi32, #tpu.memory_space<vmem>>
          %dma_wait3A_243 = arith.constant 0 : i32
          %dma_wait3A_244 = arith.constant 0 : i32
          %dma_wait3A_245 = tpu.memref_slice %arg20[%dma_wait3A_243, %dma_wait3A_244] : memref<10240x8xf32, #tpu.memory_space<vmem_shared>> -> memref<10240x8xf32, #tpu.memory_space<vmem_shared>>
          tpu.wait_indirect_dma semaphore(%arg29 : memref<!tpu.dma_semaphore, #tpu.memory_space<semaphore_mem>>) src(%arg18 : memref<128x8xf32, #tpu.memory_space<vmem>>) dst(%dma_wait3A_245 : memref<10240x8xf32, #tpu.memory_space<vmem_shared>>)
          %dma_wait3A_246 = arith.constant 0 : i32
          %dma_wait3A_247 = arith.constant 0 : i32
          %dma_wait3A_248 = tpu.memref_slice %arg13[%dma_wait3A_246, %dma_wait3A_247] : memref<80x128xi32, #tpu.memory_space<vmem>> -> memref<1x128xi32, #tpu.memory_space<vmem>>
          %dma_wait3A_249 = tpu.memref_squeeze %dma_wait3A_248 : memref<1x128xi32, #tpu.memory_space<vmem>> -> memref<128xi32, #tpu.memory_space<vmem>>
          %dma_wait3A_250 = arith.constant 0 : i32
          %dma_wait3A_251 = arith.constant 0 : i32
          %dma_wait3A_252 = tpu.memref_slice %arg20[%dma_wait3A_250, %dma_wait3A_251] : memref<10240x8xf32, #tpu.memory_space<vmem_shared>> -> memref<10240x8xf32, #tpu.memory_space<vmem_shared>>
          tpu.wait_indirect_dma semaphore(%arg29 : memref<!tpu.dma_semaphore, #tpu.memory_space<semaphore_mem>>) src(%arg18 : memref<128x8xf32, #tpu.memory_space<vmem>>) dst(%dma_wait3A_252 : memref<10240x8xf32, #tpu.memory_space<vmem_shared>>)
          %dma_wait3A_253 = arith.constant 0 : i32
          %dma_wait3A_254 = arith.constant 0 : i32
          %dma_wait3A_255 = tpu.memref_slice %arg13[%dma_wait3A_253, %dma_wait3A_254] : memref<80x128xi32, #tpu.memory_space<vmem>> -> memref<1x128xi32, #tpu.memory_space<vmem>>
          %dma_wait3A_256 = tpu.memref_squeeze %dma_wait3A_255 : memref<1x128xi32, #tpu.memory_space<vmem>> -> memref<128xi32, #tpu.memory_space<vmem>>
          %dma_wait3A_257 = arith.constant 0 : i32
          %dma_wait3A_258 = arith.constant 0 : i32
          %dma_wait3A_259 = tpu.memref_slice %arg20[%dma_wait3A_257, %dma_wait3A_258] : memref<10240x8xf32, #tpu.memory_space<vmem_shared>> -> memref<10240x8xf32, #tpu.memory_space<vmem_shared>>
          tpu.wait_indirect_dma semaphore(%arg29 : memref<!tpu.dma_semaphore, #tpu.memory_space<semaphore_mem>>) src(%arg18 : memref<128x8xf32, #tpu.memory_space<vmem>>) dst(%dma_wait3A_259 : memref<10240x8xf32, #tpu.memory_space<vmem_shared>>)
        } else {
        }
        %dma_wait3A_141 = arith.constant 0 : i32
        %dma_wait3A_142 = arith.constant 0 : i32
        %dma_wait3A_143 = tpu.memref_slice %arg3[%dma_wait3A_141, %dma_wait3A_142] : memref<10000x64xf32, #tpu.memory_space<hbm>> -> memref<128x64xf32, #tpu.memory_space<hbm>>
        %dma_wait3A_144 = arith.constant 0 : i32
        %dma_wait3A_145 = arith.constant 0 : i32
        %dma_wait3A_146 = tpu.memref_slice %arg3[%dma_wait3A_144, %dma_wait3A_145] : memref<10000x64xf32, #tpu.memory_space<hbm>> -> memref<128x64xf32, #tpu.memory_space<hbm>>
        tpu.wait_dma2 semaphore(%arg21 : memref<!tpu.dma_semaphore, #tpu.memory_space<semaphore_mem>>) src(%dma_wait3A_146 : memref<128x64xf32, #tpu.memory_space<hbm>>) dst(%arg14 : memref<128x64xf32, #tpu.memory_space<vmem>>)
        %add3A = arith.constant 0 : i32
        %add3A_147 = arith.addi %mul3A_134, %add3A : i32
        %dma_start3A_148 = arith.constant 0 : i32
        %dma_start3A_149 = tpu.memref_slice %arg13[%add3A_147, %dma_start3A_148] : memref<80x128xi32, #tpu.memory_space<vmem>> -> memref<1x128xi32, #tpu.memory_space<vmem>>
        %dma_start3A_150 = tpu.memref_squeeze %dma_start3A_149 : memref<1x128xi32, #tpu.memory_space<vmem>> -> memref<128xi32, #tpu.memory_space<vmem>>
        %dma_start3A_151 = arith.constant 0 : i32
        %dma_start3A_152 = arith.constant 0 : i32
        %dma_start3A_153 = tpu.memref_slice %arg19[%dma_start3A_151, %dma_start3A_152] : memref<10240x64xf32, #tpu.memory_space<vmem_shared>> -> memref<10240x64xf32, #tpu.memory_space<vmem_shared>>
        tpu.enqueue_indirect_dma source(%arg14 : memref<128x64xf32, #tpu.memory_space<vmem>>) target(%dma_start3A_153 : memref<10240x64xf32, #tpu.memory_space<vmem_shared>>) offsets(%dma_start3A_150 : memref<128xi32, #tpu.memory_space<vmem>>) semaphore(%arg25 : memref<!tpu.dma_semaphore, #tpu.memory_space<semaphore_mem>>) {add = true}
        %ge3A = arith.constant 0 : i32
        %ge3A_154 = arith.cmpi sge, %scan3A_132, %ge3A : i32
        %lt3A_155 = arith.constant 20 : i32
        %lt3A_156 = arith.cmpi slt, %scan3A_132, %lt3A_155 : i32
        %and3A_157 = arith.andi %ge3A_154, %lt3A_156 : i1
        %convert_element_type3A_158 = arith.extui %and3A_157 : i1 to i32
        %cond3A_159 = arith.constant 0 : i32
        %cond3A_160 = arith.cmpi ne, %convert_element_type3A_158, %cond3A_159 : i32
        scf.if %cond3A_160 {
          %add3A_232 = arith.constant 0 : i32
          %add3A_233 = arith.addi %mul3A_134, %add3A_232 : i32
          %dma_start3A_234 = arith.constant 0 : i32
          %dma_start3A_235 = tpu.memref_slice %arg13[%add3A_233, %dma_start3A_234] : memref<80x128xi32, #tpu.memory_space<vmem>> -> memref<1x128xi32, #tpu.memory_space<vmem>>
          %dma_start3A_236 = tpu.memref_squeeze %dma_start3A_235 : memref<1x128xi32, #tpu.memory_space<vmem>> -> memref<128xi32, #tpu.memory_space<vmem>>
          %dma_start3A_237 = arith.constant 0 : i32
          %dma_start3A_238 = arith.constant 0 : i32
          %dma_start3A_239 = tpu.memref_slice %arg20[%dma_start3A_237, %dma_start3A_238] : memref<10240x8xf32, #tpu.memory_space<vmem_shared>> -> memref<10240x8xf32, #tpu.memory_space<vmem_shared>>
          tpu.enqueue_indirect_dma source(%arg18 : memref<128x8xf32, #tpu.memory_space<vmem>>) target(%dma_start3A_239 : memref<10240x8xf32, #tpu.memory_space<vmem_shared>>) offsets(%dma_start3A_236 : memref<128xi32, #tpu.memory_space<vmem>>) semaphore(%arg29 : memref<!tpu.dma_semaphore, #tpu.memory_space<semaphore_mem>>) {add = true}
        } else {
        }
        %dma_wait3A_161 = arith.constant 0 : i32
        %dma_wait3A_162 = arith.constant 0 : i32
        %dma_wait3A_163 = tpu.memref_slice %arg3[%dma_wait3A_161, %dma_wait3A_162] : memref<10000x64xf32, #tpu.memory_space<hbm>> -> memref<128x64xf32, #tpu.memory_space<hbm>>
        %dma_wait3A_164 = arith.constant 0 : i32
        %dma_wait3A_165 = arith.constant 0 : i32
        %dma_wait3A_166 = tpu.memref_slice %arg3[%dma_wait3A_164, %dma_wait3A_165] : memref<10000x64xf32, #tpu.memory_space<hbm>> -> memref<128x64xf32, #tpu.memory_space<hbm>>
        tpu.wait_dma2 semaphore(%arg22 : memref<!tpu.dma_semaphore, #tpu.memory_space<semaphore_mem>>) src(%dma_wait3A_166 : memref<128x64xf32, #tpu.memory_space<hbm>>) dst(%arg15 : memref<128x64xf32, #tpu.memory_space<vmem>>)
        %add3A_167 = arith.constant 1 : i32
        %add3A_168 = arith.addi %mul3A_134, %add3A_167 : i32
        %dma_start3A_169 = arith.constant 0 : i32
        %dma_start3A_170 = tpu.memref_slice %arg13[%add3A_168, %dma_start3A_169] : memref<80x128xi32, #tpu.memory_space<vmem>> -> memref<1x128xi32, #tpu.memory_space<vmem>>
        %dma_start3A_171 = tpu.memref_squeeze %dma_start3A_170 : memref<1x128xi32, #tpu.memory_space<vmem>> -> memref<128xi32, #tpu.memory_space<vmem>>
        %dma_start3A_172 = arith.constant 0 : i32
        %dma_start3A_173 = arith.constant 0 : i32
        %dma_start3A_174 = tpu.memref_slice %arg19[%dma_start3A_172, %dma_start3A_173] : memref<10240x64xf32, #tpu.memory_space<vmem_shared>> -> memref<10240x64xf32, #tpu.memory_space<vmem_shared>>
        tpu.enqueue_indirect_dma source(%arg15 : memref<128x64xf32, #tpu.memory_space<vmem>>) target(%dma_start3A_174 : memref<10240x64xf32, #tpu.memory_space<vmem_shared>>) offsets(%dma_start3A_171 : memref<128xi32, #tpu.memory_space<vmem>>) semaphore(%arg26 : memref<!tpu.dma_semaphore, #tpu.memory_space<semaphore_mem>>) {add = true}
        %ge3A_175 = arith.constant 0 : i32
        %ge3A_176 = arith.cmpi sge, %scan3A_132, %ge3A_175 : i32
        %lt3A_177 = arith.constant 20 : i32
        %lt3A_178 = arith.cmpi slt, %scan3A_132, %lt3A_177 : i32
        %and3A_179 = arith.andi %ge3A_176, %lt3A_178 : i1
        %convert_element_type3A_180 = arith.extui %and3A_179 : i1 to i32
        %cond3A_181 = arith.constant 0 : i32
        %cond3A_182 = arith.cmpi ne, %convert_element_type3A_180, %cond3A_181 : i32
        scf.if %cond3A_182 {
          %add3A_232 = arith.constant 1 : i32
          %add3A_233 = arith.addi %mul3A_134, %add3A_232 : i32
          %dma_start3A_234 = arith.constant 0 : i32
          %dma_start3A_235 = tpu.memref_slice %arg13[%add3A_233, %dma_start3A_234] : memref<80x128xi32, #tpu.memory_space<vmem>> -> memref<1x128xi32, #tpu.memory_space<vmem>>
          %dma_start3A_236 = tpu.memref_squeeze %dma_start3A_235 : memref<1x128xi32, #tpu.memory_space<vmem>> -> memref<128xi32, #tpu.memory_space<vmem>>
          %dma_start3A_237 = arith.constant 0 : i32
          %dma_start3A_238 = arith.constant 0 : i32
          %dma_start3A_239 = tpu.memref_slice %arg20[%dma_start3A_237, %dma_start3A_238] : memref<10240x8xf32, #tpu.memory_space<vmem_shared>> -> memref<10240x8xf32, #tpu.memory_space<vmem_shared>>
          tpu.enqueue_indirect_dma source(%arg18 : memref<128x8xf32, #tpu.memory_space<vmem>>) target(%dma_start3A_239 : memref<10240x8xf32, #tpu.memory_space<vmem_shared>>) offsets(%dma_start3A_236 : memref<128xi32, #tpu.memory_space<vmem>>) semaphore(%arg29 : memref<!tpu.dma_semaphore, #tpu.memory_space<semaphore_mem>>) {add = true}
        } else {
        }
        %dma_wait3A_183 = arith.constant 0 : i32
        %dma_wait3A_184 = arith.constant 0 : i32
        %dma_wait3A_185 = tpu.memref_slice %arg3[%dma_wait3A_183, %dma_wait3A_184] : memref<10000x64xf32, #tpu.memory_space<hbm>> -> memref<128x64xf32, #tpu.memory_space<hbm>>
        %dma_wait3A_186 = arith.constant 0 : i32
        %dma_wait3A_187 = arith.constant 0 : i32
        %dma_wait3A_188 = tpu.memref_slice %arg3[%dma_wait3A_186, %dma_wait3A_187] : memref<10000x64xf32, #tpu.memory_space<hbm>> -> memref<128x64xf32, #tpu.memory_space<hbm>>
        tpu.wait_dma2 semaphore(%arg23 : memref<!tpu.dma_semaphore, #tpu.memory_space<semaphore_mem>>) src(%dma_wait3A_188 : memref<128x64xf32, #tpu.memory_space<hbm>>) dst(%arg16 : memref<128x64xf32, #tpu.memory_space<vmem>>)
        %add3A_189 = arith.constant 2 : i32
        %add3A_190 = arith.addi %mul3A_134, %add3A_189 : i32
        %dma_start3A_191 = arith.constant 0 : i32
        %dma_start3A_192 = tpu.memref_slice %arg13[%add3A_190, %dma_start3A_191] : memref<80x128xi32, #tpu.memory_space<vmem>> -> memref<1x128xi32, #tpu.memory_space<vmem>>
        %dma_start3A_193 = tpu.memref_squeeze %dma_start3A_192 : memref<1x128xi32, #tpu.memory_space<vmem>> -> memref<128xi32, #tpu.memory_space<vmem>>
        %dma_start3A_194 = arith.constant 0 : i32
        %dma_start3A_195 = arith.constant 0 : i32
        %dma_start3A_196 = tpu.memref_slice %arg19[%dma_start3A_194, %dma_start3A_195] : memref<10240x64xf32, #tpu.memory_space<vmem_shared>> -> memref<10240x64xf32, #tpu.memory_space<vmem_shared>>
        tpu.enqueue_indirect_dma source(%arg16 : memref<128x64xf32, #tpu.memory_space<vmem>>) target(%dma_start3A_196 : memref<10240x64xf32, #tpu.memory_space<vmem_shared>>) offsets(%dma_start3A_193 : memref<128xi32, #tpu.memory_space<vmem>>) semaphore(%arg27 : memref<!tpu.dma_semaphore, #tpu.memory_space<semaphore_mem>>) {add = true}
        %ge3A_197 = arith.constant 0 : i32
        %ge3A_198 = arith.cmpi sge, %scan3A_132, %ge3A_197 : i32
        %lt3A_199 = arith.constant 20 : i32
        %lt3A_200 = arith.cmpi slt, %scan3A_132, %lt3A_199 : i32
        %and3A_201 = arith.andi %ge3A_198, %lt3A_200 : i1
        %convert_element_type3A_202 = arith.extui %and3A_201 : i1 to i32
        %cond3A_203 = arith.constant 0 : i32
        %cond3A_204 = arith.cmpi ne, %convert_element_type3A_202, %cond3A_203 : i32
        scf.if %cond3A_204 {
          %add3A_232 = arith.constant 2 : i32
          %add3A_233 = arith.addi %mul3A_134, %add3A_232 : i32
          %dma_start3A_234 = arith.constant 0 : i32
          %dma_start3A_235 = tpu.memref_slice %arg13[%add3A_233, %dma_start3A_234] : memref<80x128xi32, #tpu.memory_space<vmem>> -> memref<1x128xi32, #tpu.memory_space<vmem>>
          %dma_start3A_236 = tpu.memref_squeeze %dma_start3A_235 : memref<1x128xi32, #tpu.memory_space<vmem>> -> memref<128xi32, #tpu.memory_space<vmem>>
          %dma_start3A_237 = arith.constant 0 : i32
          %dma_start3A_238 = arith.constant 0 : i32
          %dma_start3A_239 = tpu.memref_slice %arg20[%dma_start3A_237, %dma_start3A_238] : memref<10240x8xf32, #tpu.memory_space<vmem_shared>> -> memref<10240x8xf32, #tpu.memory_space<vmem_shared>>
          tpu.enqueue_indirect_dma source(%arg18 : memref<128x8xf32, #tpu.memory_space<vmem>>) target(%dma_start3A_239 : memref<10240x8xf32, #tpu.memory_space<vmem_shared>>) offsets(%dma_start3A_236 : memref<128xi32, #tpu.memory_space<vmem>>) semaphore(%arg29 : memref<!tpu.dma_semaphore, #tpu.memory_space<semaphore_mem>>) {add = true}
        } else {
        }
        %dma_wait3A_205 = arith.constant 0 : i32
        %dma_wait3A_206 = arith.constant 0 : i32
        %dma_wait3A_207 = tpu.memref_slice %arg3[%dma_wait3A_205, %dma_wait3A_206] : memref<10000x64xf32, #tpu.memory_space<hbm>> -> memref<128x64xf32, #tpu.memory_space<hbm>>
        %dma_wait3A_208 = arith.constant 0 : i32
        %dma_wait3A_209 = arith.constant 0 : i32
        %dma_wait3A_210 = tpu.memref_slice %arg3[%dma_wait3A_208, %dma_wait3A_209] : memref<10000x64xf32, #tpu.memory_space<hbm>> -> memref<128x64xf32, #tpu.memory_space<hbm>>
        tpu.wait_dma2 semaphore(%arg24 : memref<!tpu.dma_semaphore, #tpu.memory_space<semaphore_mem>>) src(%dma_wait3A_210 : memref<128x64xf32, #tpu.memory_space<hbm>>) dst(%arg17 : memref<128x64xf32, #tpu.memory_space<vmem>>)
        %add3A_211 = arith.constant 3 : i32
        %add3A_212 = arith.addi %mul3A_134, %add3A_211 : i32
        %dma_start3A_213 = arith.constant 0 : i32
        %dma_start3A_214 = tpu.memref_slice %arg13[%add3A_212, %dma_start3A_213] : memref<80x128xi32, #tpu.memory_space<vmem>> -> memref<1x128xi32, #tpu.memory_space<vmem>>
        %dma_start3A_215 = tpu.memref_squeeze %dma_start3A_214 : memref<1x128xi32, #tpu.memory_space<vmem>> -> memref<128xi32, #tpu.memory_space<vmem>>
        %dma_start3A_216 = arith.constant 0 : i32
        %dma_start3A_217 = arith.constant 0 : i32
        %dma_start3A_218 = tpu.memref_slice %arg19[%dma_start3A_216, %dma_start3A_217] : memref<10240x64xf32, #tpu.memory_space<vmem_shared>> -> memref<10240x64xf32, #tpu.memory_space<vmem_shared>>
        tpu.enqueue_indirect_dma source(%arg17 : memref<128x64xf32, #tpu.memory_space<vmem>>) target(%dma_start3A_218 : memref<10240x64xf32, #tpu.memory_space<vmem_shared>>) offsets(%dma_start3A_215 : memref<128xi32, #tpu.memory_space<vmem>>) semaphore(%arg28 : memref<!tpu.dma_semaphore, #tpu.memory_space<semaphore_mem>>) {add = true}
        %ge3A_219 = arith.constant 0 : i32
        %ge3A_220 = arith.cmpi sge, %scan3A_132, %ge3A_219 : i32
        %lt3A_221 = arith.constant 20 : i32
        %lt3A_222 = arith.cmpi slt, %scan3A_132, %lt3A_221 : i32
        %and3A_223 = arith.andi %ge3A_220, %lt3A_222 : i1
        %convert_element_type3A_224 = arith.extui %and3A_223 : i1 to i32
        %cond3A_225 = arith.constant 0 : i32
        %cond3A_226 = arith.cmpi ne, %convert_element_type3A_224, %cond3A_225 : i32
        scf.if %cond3A_226 {
          %add3A_232 = arith.constant 3 : i32
          %add3A_233 = arith.addi %mul3A_134, %add3A_232 : i32
          %dma_start3A_234 = arith.constant 0 : i32
          %dma_start3A_235 = tpu.memref_slice %arg13[%add3A_233, %dma_start3A_234] : memref<80x128xi32, #tpu.memory_space<vmem>> -> memref<1x128xi32, #tpu.memory_space<vmem>>
          %dma_start3A_236 = tpu.memref_squeeze %dma_start3A_235 : memref<1x128xi32, #tpu.memory_space<vmem>> -> memref<128xi32, #tpu.memory_space<vmem>>
          %dma_start3A_237 = arith.constant 0 : i32
          %dma_start3A_238 = arith.constant 0 : i32
          %dma_start3A_239 = tpu.memref_slice %arg20[%dma_start3A_237, %dma_start3A_238] : memref<10240x8xf32, #tpu.memory_space<vmem_shared>> -> memref<10240x8xf32, #tpu.memory_space<vmem_shared>>
          tpu.enqueue_indirect_dma source(%arg18 : memref<128x8xf32, #tpu.memory_space<vmem>>) target(%dma_start3A_239 : memref<10240x8xf32, #tpu.memory_space<vmem_shared>>) offsets(%dma_start3A_236 : memref<128xi32, #tpu.memory_space<vmem>>) semaphore(%arg29 : memref<!tpu.dma_semaphore, #tpu.memory_space<semaphore_mem>>) {add = true}
        } else {
        }
        %lt3A_227 = arith.constant 19 : i32
        %lt3A_228 = arith.cmpi slt, %scan3A_132, %lt3A_227 : i32
        %convert_element_type3A_229 = arith.extui %lt3A_228 : i1 to i32
        %cond3A_230 = arith.constant 0 : i32
        %cond3A_231 = arith.cmpi ne, %convert_element_type3A_229, %cond3A_230 : i32
        scf.if %cond3A_231 {
          %dma_wait3A_232 = arith.constant 0 : i32
          %dma_wait3A_233 = arith.constant 0 : i32
          %dma_wait3A_234 = tpu.memref_slice %arg13[%dma_wait3A_232, %dma_wait3A_233] : memref<80x128xi32, #tpu.memory_space<vmem>> -> memref<1x128xi32, #tpu.memory_space<vmem>>
          %dma_wait3A_235 = tpu.memref_squeeze %dma_wait3A_234 : memref<1x128xi32, #tpu.memory_space<vmem>> -> memref<128xi32, #tpu.memory_space<vmem>>
          %dma_wait3A_236 = arith.constant 0 : i32
          %dma_wait3A_237 = arith.constant 0 : i32
          %dma_wait3A_238 = tpu.memref_slice %arg19[%dma_wait3A_236, %dma_wait3A_237] : memref<10240x64xf32, #tpu.memory_space<vmem_shared>> -> memref<10240x64xf32, #tpu.memory_space<vmem_shared>>
          tpu.wait_indirect_dma semaphore(%arg25 : memref<!tpu.dma_semaphore, #tpu.memory_space<semaphore_mem>>) src(%arg14 : memref<128x64xf32, #tpu.memory_space<vmem>>) dst(%dma_wait3A_238 : memref<10240x64xf32, #tpu.memory_space<vmem_shared>>)
          %add3A_239 = arith.constant 4 : i32
          %add3A_240 = arith.addi %mul3A_134, %add3A_239 : i32
          %add3A_241 = arith.constant 0 : i32
          %add3A_242 = arith.addi %add3A_240, %add3A_241 : i32
          %dma_start3A_243 = arith.constant 0 : i32
          %dma_start3A_244 = tpu.memref_slice %arg12[%add3A_242, %dma_start3A_243] : memref<80x128xi32, #tpu.memory_space<vmem>> -> memref<1x128xi32, #tpu.memory_space<vmem>>
          %dma_start3A_245 = tpu.memref_squeeze %dma_start3A_244 : memref<1x128xi32, #tpu.memory_space<vmem>> -> memref<128xi32, #tpu.memory_space<vmem>>
          %dma_start3A_246 = arith.constant 0 : i32
          %dma_start3A_247 = arith.constant 0 : i32
          %dma_start3A_248 = tpu.memref_slice %arg3[%dma_start3A_246, %dma_start3A_247] : memref<10000x64xf32, #tpu.memory_space<hbm>> -> memref<10000x64xf32, #tpu.memory_space<hbm>>
          tpu.enqueue_indirect_dma source(%dma_start3A_248 : memref<10000x64xf32, #tpu.memory_space<hbm>>) target(%arg14 : memref<128x64xf32, #tpu.memory_space<vmem>>) offsets(%dma_start3A_245 : memref<128xi32, #tpu.memory_space<vmem>>) semaphore(%arg21 : memref<!tpu.dma_semaphore, #tpu.memory_space<semaphore_mem>>)
          %dma_wait3A_249 = arith.constant 0 : i32
          %dma_wait3A_250 = arith.constant 0 : i32
          %dma_wait3A_251 = tpu.memref_slice %arg13[%dma_wait3A_249, %dma_wait3A_250] : memref<80x128xi32, #tpu.memory_space<vmem>> -> memref<1x128xi32, #tpu.memory_space<vmem>>
          %dma_wait3A_252 = tpu.memref_squeeze %dma_wait3A_251 : memref<1x128xi32, #tpu.memory_space<vmem>> -> memref<128xi32, #tpu.memory_space<vmem>>
          %dma_wait3A_253 = arith.constant 0 : i32
          %dma_wait3A_254 = arith.constant 0 : i32
          %dma_wait3A_255 = tpu.memref_slice %arg19[%dma_wait3A_253, %dma_wait3A_254] : memref<10240x64xf32, #tpu.memory_space<vmem_shared>> -> memref<10240x64xf32, #tpu.memory_space<vmem_shared>>
          tpu.wait_indirect_dma semaphore(%arg26 : memref<!tpu.dma_semaphore, #tpu.memory_space<semaphore_mem>>) src(%arg15 : memref<128x64xf32, #tpu.memory_space<vmem>>) dst(%dma_wait3A_255 : memref<10240x64xf32, #tpu.memory_space<vmem_shared>>)
          %add3A_256 = arith.constant 4 : i32
          %add3A_257 = arith.addi %mul3A_134, %add3A_256 : i32
          %add3A_258 = arith.constant 1 : i32
          %add3A_259 = arith.addi %add3A_257, %add3A_258 : i32
          %dma_start3A_260 = arith.constant 0 : i32
          %dma_start3A_261 = tpu.memref_slice %arg12[%add3A_259, %dma_start3A_260] : memref<80x128xi32, #tpu.memory_space<vmem>> -> memref<1x128xi32, #tpu.memory_space<vmem>>
          %dma_start3A_262 = tpu.memref_squeeze %dma_start3A_261 : memref<1x128xi32, #tpu.memory_space<vmem>> -> memref<128xi32, #tpu.memory_space<vmem>>
          %dma_start3A_263 = arith.constant 0 : i32
          %dma_start3A_264 = arith.constant 0 : i32
          %dma_start3A_265 = tpu.memref_slice %arg3[%dma_start3A_263, %dma_start3A_264] : memref<10000x64xf32, #tpu.memory_space<hbm>> -> memref<10000x64xf32, #tpu.memory_space<hbm>>
          tpu.enqueue_indirect_dma source(%dma_start3A_265 : memref<10000x64xf32, #tpu.memory_space<hbm>>) target(%arg15 : memref<128x64xf32, #tpu.memory_space<vmem>>) offsets(%dma_start3A_262 : memref<128xi32, #tpu.memory_space<vmem>>) semaphore(%arg22 : memref<!tpu.dma_semaphore, #tpu.memory_space<semaphore_mem>>)
          %dma_wait3A_266 = arith.constant 0 : i32
          %dma_wait3A_267 = arith.constant 0 : i32
          %dma_wait3A_268 = tpu.memref_slice %arg13[%dma_wait3A_266, %dma_wait3A_267] : memref<80x128xi32, #tpu.memory_space<vmem>> -> memref<1x128xi32, #tpu.memory_space<vmem>>
          %dma_wait3A_269 = tpu.memref_squeeze %dma_wait3A_268 : memref<1x128xi32, #tpu.memory_space<vmem>> -> memref<128xi32, #tpu.memory_space<vmem>>
          %dma_wait3A_270 = arith.constant 0 : i32
          %dma_wait3A_271 = arith.constant 0 : i32
          %dma_wait3A_272 = tpu.memref_slice %arg19[%dma_wait3A_270, %dma_wait3A_271] : memref<10240x64xf32, #tpu.memory_space<vmem_shared>> -> memref<10240x64xf32, #tpu.memory_space<vmem_shared>>
          tpu.wait_indirect_dma semaphore(%arg27 : memref<!tpu.dma_semaphore, #tpu.memory_space<semaphore_mem>>) src(%arg16 : memref<128x64xf32, #tpu.memory_space<vmem>>) dst(%dma_wait3A_272 : memref<10240x64xf32, #tpu.memory_space<vmem_shared>>)
          %add3A_273 = arith.constant 4 : i32
          %add3A_274 = arith.addi %mul3A_134, %add3A_273 : i32
          %add3A_275 = arith.constant 2 : i32
          %add3A_276 = arith.addi %add3A_274, %add3A_275 : i32
          %dma_start3A_277 = arith.constant 0 : i32
          %dma_start3A_278 = tpu.memref_slice %arg12[%add3A_276, %dma_start3A_277] : memref<80x128xi32, #tpu.memory_space<vmem>> -> memref<1x128xi32, #tpu.memory_space<vmem>>
          %dma_start3A_279 = tpu.memref_squeeze %dma_start3A_278 : memref<1x128xi32, #tpu.memory_space<vmem>> -> memref<128xi32, #tpu.memory_space<vmem>>
          %dma_start3A_280 = arith.constant 0 : i32
          %dma_start3A_281 = arith.constant 0 : i32
          %dma_start3A_282 = tpu.memref_slice %arg3[%dma_start3A_280, %dma_start3A_281] : memref<10000x64xf32, #tpu.memory_space<hbm>> -> memref<10000x64xf32, #tpu.memory_space<hbm>>
          tpu.enqueue_indirect_dma source(%dma_start3A_282 : memref<10000x64xf32, #tpu.memory_space<hbm>>) target(%arg16 : memref<128x64xf32, #tpu.memory_space<vmem>>) offsets(%dma_start3A_279 : memref<128xi32, #tpu.memory_space<vmem>>) semaphore(%arg23 : memref<!tpu.dma_semaphore, #tpu.memory_space<semaphore_mem>>)
          %dma_wait3A_283 = arith.constant 0 : i32
          %dma_wait3A_284 = arith.constant 0 : i32
          %dma_wait3A_285 = tpu.memref_slice %arg13[%dma_wait3A_283, %dma_wait3A_284] : memref<80x128xi32, #tpu.memory_space<vmem>> -> memref<1x128xi32, #tpu.memory_space<vmem>>
          %dma_wait3A_286 = tpu.memref_squeeze %dma_wait3A_285 : memref<1x128xi32, #tpu.memory_space<vmem>> -> memref<128xi32, #tpu.memory_space<vmem>>
          %dma_wait3A_287 = arith.constant 0 : i32
          %dma_wait3A_288 = arith.constant 0 : i32
          %dma_wait3A_289 = tpu.memref_slice %arg19[%dma_wait3A_287, %dma_wait3A_288] : memref<10240x64xf32, #tpu.memory_space<vmem_shared>> -> memref<10240x64xf32, #tpu.memory_space<vmem_shared>>
          tpu.wait_indirect_dma semaphore(%arg28 : memref<!tpu.dma_semaphore, #tpu.memory_space<semaphore_mem>>) src(%arg17 : memref<128x64xf32, #tpu.memory_space<vmem>>) dst(%dma_wait3A_289 : memref<10240x64xf32, #tpu.memory_space<vmem_shared>>)
          %add3A_290 = arith.constant 4 : i32
          %add3A_291 = arith.addi %mul3A_134, %add3A_290 : i32
          %add3A_292 = arith.constant 3 : i32
          %add3A_293 = arith.addi %add3A_291, %add3A_292 : i32
          %dma_start3A_294 = arith.constant 0 : i32
          %dma_start3A_295 = tpu.memref_slice %arg12[%add3A_293, %dma_start3A_294] : memref<80x128xi32, #tpu.memory_space<vmem>> -> memref<1x128xi32, #tpu.memory_space<vmem>>
          %dma_start3A_296 = tpu.memref_squeeze %dma_start3A_295 : memref<1x128xi32, #tpu.memory_space<vmem>> -> memref<128xi32, #tpu.memory_space<vmem>>
          %dma_start3A_297 = arith.constant 0 : i32
          %dma_start3A_298 = arith.constant 0 : i32
          %dma_start3A_299 = tpu.memref_slice %arg3[%dma_start3A_297, %dma_start3A_298] : memref<10000x64xf32, #tpu.memory_space<hbm>> -> memref<10000x64xf32, #tpu.memory_space<hbm>>
          tpu.enqueue_indirect_dma source(%dma_start3A_299 : memref<10000x64xf32, #tpu.memory_space<hbm>>) target(%arg17 : memref<128x64xf32, #tpu.memory_space<vmem>>) offsets(%dma_start3A_296 : memref<128xi32, #tpu.memory_space<vmem>>) semaphore(%arg24 : memref<!tpu.dma_semaphore, #tpu.memory_space<semaphore_mem>>)
        } else {
        }
      }
      %scan3A_75 = arith.constant 20 : i32
      %dma_wait3A_76 = arith.constant 0 : i32
      %dma_wait3A_77 = arith.constant 0 : i32
      %dma_wait3A_78 = tpu.memref_slice %arg13[%dma_wait3A_76, %dma_wait3A_77] : memref<80x128xi32, #tpu.memory_space<vmem>> -> memref<1x128xi32, #tpu.memory_space<vmem>>
      %dma_wait3A_79 = tpu.memref_squeeze %dma_wait3A_78 : memref<1x128xi32, #tpu.memory_space<vmem>> -> memref<128xi32, #tpu.memory_space<vmem>>
      %dma_wait3A_80 = arith.constant 0 : i32
      %dma_wait3A_81 = arith.constant 0 : i32
      %dma_wait3A_82 = tpu.memref_slice %arg19[%dma_wait3A_80, %dma_wait3A_81] : memref<10240x64xf32, #tpu.memory_space<vmem_shared>> -> memref<10240x64xf32, #tpu.memory_space<vmem_shared>>
      tpu.wait_indirect_dma semaphore(%arg25 : memref<!tpu.dma_semaphore, #tpu.memory_space<semaphore_mem>>) src(%arg14 : memref<128x64xf32, #tpu.memory_space<vmem>>) dst(%dma_wait3A_82 : memref<10240x64xf32, #tpu.memory_space<vmem_shared>>)
      %dma_wait3A_83 = arith.constant 0 : i32
      %dma_wait3A_84 = arith.constant 0 : i32
      %dma_wait3A_85 = tpu.memref_slice %arg13[%dma_wait3A_83, %dma_wait3A_84] : memref<80x128xi32, #tpu.memory_space<vmem>> -> memref<1x128xi32, #tpu.memory_space<vmem>>
      %dma_wait3A_86 = tpu.memref_squeeze %dma_wait3A_85 : memref<1x128xi32, #tpu.memory_space<vmem>> -> memref<128xi32, #tpu.memory_space<vmem>>
      %dma_wait3A_87 = arith.constant 0 : i32
      %dma_wait3A_88 = arith.constant 0 : i32
      %dma_wait3A_89 = tpu.memref_slice %arg19[%dma_wait3A_87, %dma_wait3A_88] : memref<10240x64xf32, #tpu.memory_space<vmem_shared>> -> memref<10240x64xf32, #tpu.memory_space<vmem_shared>>
      tpu.wait_indirect_dma semaphore(%arg26 : memref<!tpu.dma_semaphore, #tpu.memory_space<semaphore_mem>>) src(%arg15 : memref<128x64xf32, #tpu.memory_space<vmem>>) dst(%dma_wait3A_89 : memref<10240x64xf32, #tpu.memory_space<vmem_shared>>)
      %dma_wait3A_90 = arith.constant 0 : i32
      %dma_wait3A_91 = arith.constant 0 : i32
      %dma_wait3A_92 = tpu.memref_slice %arg13[%dma_wait3A_90, %dma_wait3A_91] : memref<80x128xi32, #tpu.memory_space<vmem>> -> memref<1x128xi32, #tpu.memory_space<vmem>>
      %dma_wait3A_93 = tpu.memref_squeeze %dma_wait3A_92 : memref<1x128xi32, #tpu.memory_space<vmem>> -> memref<128xi32, #tpu.memory_space<vmem>>
      %dma_wait3A_94 = arith.constant 0 : i32
      %dma_wait3A_95 = arith.constant 0 : i32
      %dma_wait3A_96 = tpu.memref_slice %arg19[%dma_wait3A_94, %dma_wait3A_95] : memref<10240x64xf32, #tpu.memory_space<vmem_shared>> -> memref<10240x64xf32, #tpu.memory_space<vmem_shared>>
      tpu.wait_indirect_dma semaphore(%arg27 : memref<!tpu.dma_semaphore, #tpu.memory_space<semaphore_mem>>) src(%arg16 : memref<128x64xf32, #tpu.memory_space<vmem>>) dst(%dma_wait3A_96 : memref<10240x64xf32, #tpu.memory_space<vmem_shared>>)
      %dma_wait3A_97 = arith.constant 0 : i32
      %dma_wait3A_98 = arith.constant 0 : i32
      %dma_wait3A_99 = tpu.memref_slice %arg13[%dma_wait3A_97, %dma_wait3A_98] : memref<80x128xi32, #tpu.memory_space<vmem>> -> memref<1x128xi32, #tpu.memory_space<vmem>>
      %dma_wait3A_100 = tpu.memref_squeeze %dma_wait3A_99 : memref<1x128xi32, #tpu.memory_space<vmem>> -> memref<128xi32, #tpu.memory_space<vmem>>
      %dma_wait3A_101 = arith.constant 0 : i32
      %dma_wait3A_102 = arith.constant 0 : i32
      %dma_wait3A_103 = tpu.memref_slice %arg19[%dma_wait3A_101, %dma_wait3A_102] : memref<10240x64xf32, #tpu.memory_space<vmem_shared>> -> memref<10240x64xf32, #tpu.memory_space<vmem_shared>>
      tpu.wait_indirect_dma semaphore(%arg28 : memref<!tpu.dma_semaphore, #tpu.memory_space<semaphore_mem>>) src(%arg17 : memref<128x64xf32, #tpu.memory_space<vmem>>) dst(%dma_wait3A_103 : memref<10240x64xf32, #tpu.memory_space<vmem_shared>>)
      %dma_wait3A_104 = arith.constant 0 : i32
      %dma_wait3A_105 = arith.constant 0 : i32
      %dma_wait3A_106 = tpu.memref_slice %arg13[%dma_wait3A_104, %dma_wait3A_105] : memref<80x128xi32, #tpu.memory_space<vmem>> -> memref<1x128xi32, #tpu.memory_space<vmem>>
      %dma_wait3A_107 = tpu.memref_squeeze %dma_wait3A_106 : memref<1x128xi32, #tpu.memory_space<vmem>> -> memref<128xi32, #tpu.memory_space<vmem>>
      %dma_wait3A_108 = arith.constant 0 : i32
      %dma_wait3A_109 = arith.constant 0 : i32
      %dma_wait3A_110 = tpu.memref_slice %arg20[%dma_wait3A_108, %dma_wait3A_109] : memref<10240x8xf32, #tpu.memory_space<vmem_shared>> -> memref<10240x8xf32, #tpu.memory_space<vmem_shared>>
      tpu.wait_indirect_dma semaphore(%arg29 : memref<!tpu.dma_semaphore, #tpu.memory_space<semaphore_mem>>) src(%arg18 : memref<128x8xf32, #tpu.memory_space<vmem>>) dst(%dma_wait3A_110 : memref<10240x8xf32, #tpu.memory_space<vmem_shared>>)
      %dma_wait3A_111 = arith.constant 0 : i32
      %dma_wait3A_112 = arith.constant 0 : i32
      %dma_wait3A_113 = tpu.memref_slice %arg13[%dma_wait3A_111, %dma_wait3A_112] : memref<80x128xi32, #tpu.memory_space<vmem>> -> memref<1x128xi32, #tpu.memory_space<vmem>>
      %dma_wait3A_114 = tpu.memref_squeeze %dma_wait3A_113 : memref<1x128xi32, #tpu.memory_space<vmem>> -> memref<128xi32, #tpu.memory_space<vmem>>
      %dma_wait3A_115 = arith.constant 0 : i32
      %dma_wait3A_116 = arith.constant 0 : i32
      %dma_wait3A_117 = tpu.memref_slice %arg20[%dma_wait3A_115, %dma_wait3A_116] : memref<10240x8xf32, #tpu.memory_space<vmem_shared>> -> memref<10240x8xf32, #tpu.memory_space<vmem_shared>>
      tpu.wait_indirect_dma semaphore(%arg29 : memref<!tpu.dma_semaphore, #tpu.memory_space<semaphore_mem>>) src(%arg18 : memref<128x8xf32, #tpu.memory_space<vmem>>) dst(%dma_wait3A_117 : memref<10240x8xf32, #tpu.memory_space<vmem_shared>>)
      %dma_wait3A_118 = arith.constant 0 : i32
      %dma_wait3A_119 = arith.constant 0 : i32
      %dma_wait3A_120 = tpu.memref_slice %arg13[%dma_wait3A_118, %dma_wait3A_119] : memref<80x128xi32, #tpu.memory_space<vmem>> -> memref<1x128xi32, #tpu.memory_space<vmem>>
      %dma_wait3A_121 = tpu.memref_squeeze %dma_wait3A_120 : memref<1x128xi32, #tpu.memory_space<vmem>> -> memref<128xi32, #tpu.memory_space<vmem>>
      %dma_wait3A_122 = arith.constant 0 : i32
      %dma_wait3A_123 = arith.constant 0 : i32
      %dma_wait3A_124 = tpu.memref_slice %arg20[%dma_wait3A_122, %dma_wait3A_123] : memref<10240x8xf32, #tpu.memory_space<vmem_shared>> -> memref<10240x8xf32, #tpu.memory_space<vmem_shared>>
      tpu.wait_indirect_dma semaphore(%arg29 : memref<!tpu.dma_semaphore, #tpu.memory_space<semaphore_mem>>) src(%arg18 : memref<128x8xf32, #tpu.memory_space<vmem>>) dst(%dma_wait3A_124 : memref<10240x8xf32, #tpu.memory_space<vmem_shared>>)
      %dma_wait3A_125 = arith.constant 0 : i32
      %dma_wait3A_126 = arith.constant 0 : i32
      %dma_wait3A_127 = tpu.memref_slice %arg13[%dma_wait3A_125, %dma_wait3A_126] : memref<80x128xi32, #tpu.memory_space<vmem>> -> memref<1x128xi32, #tpu.memory_space<vmem>>
      %dma_wait3A_128 = tpu.memref_squeeze %dma_wait3A_127 : memref<1x128xi32, #tpu.memory_space<vmem>> -> memref<128xi32, #tpu.memory_space<vmem>>
      %dma_wait3A_129 = arith.constant 0 : i32
      %dma_wait3A_130 = arith.constant 0 : i32
      %dma_wait3A_131 = tpu.memref_slice %arg20[%dma_wait3A_129, %dma_wait3A_130] : memref<10240x8xf32, #tpu.memory_space<vmem_shared>> -> memref<10240x8xf32, #tpu.memory_space<vmem_shared>>
      tpu.wait_indirect_dma semaphore(%arg29 : memref<!tpu.dma_semaphore, #tpu.memory_space<semaphore_mem>>) src(%arg18 : memref<128x8xf32, #tpu.memory_space<vmem>>) dst(%dma_wait3A_131 : memref<10240x8xf32, #tpu.memory_space<vmem_shared>>)
    } else {
    }
    %barrier3A_33 = arith.constant 0 : index
    tpu.barrier barrier_id(%barrier3A_33)
    %lt3A = arith.constant 15 : i32
    %lt3A_34 = arith.cmpi slt, %arg1, %lt3A : i32
    %convert_element_type3A_35 = arith.extui %lt3A_34 : i1 to i32
    %cond3A_36 = arith.constant 0 : i32
    %cond3A_37 = arith.cmpi ne, %convert_element_type3A_35, %cond3A_36 : i32
    scf.if %cond3A_37 {
      %eq3A_43 = arith.constant 0 : i32
      %eq3A_44 = arith.cmpi eq, %arg0, %eq3A_43 : i32
      %convert_element_type3A_45 = arith.extui %eq3A_44 : i1 to i32
      %cond3A_46 = arith.constant 0 : i32
      %cond3A_47 = arith.cmpi ne, %convert_element_type3A_45, %cond3A_46 : i32
      scf.if %cond3A_47 {
        "tpu.region"() ({
          %run_scoped3A = tpu.sem_alloc : memref<!tpu.dma_semaphore, #tpu.memory_space<semaphore_mem>>
          %dma_start3A_53 = arith.constant 0 : i32
          %dma_start3A_54 = tpu.memref_slice %arg9[%multiple_of3A, %dma_start3A_53] : memref<10000x64xf32, #tpu.memory_space<hbm>> -> memref<640x64xf32, #tpu.memory_space<hbm>>
          %dma_start3A_55 = arith.constant 0 : i32
          %dma_start3A_56 = tpu.memref_slice %arg19[%multiple_of3A, %dma_start3A_55] : memref<10240x64xf32, #tpu.memory_space<vmem_shared>> -> memref<640x64xf32, #tpu.memory_space<vmem_shared>>
          tpu.enqueue_dma source(%dma_start3A_56 : memref<640x64xf32, #tpu.memory_space<vmem_shared>>) target(%dma_start3A_54 : memref<640x64xf32, #tpu.memory_space<hbm>>) target_semaphore(%run_scoped3A : memref<!tpu.dma_semaphore, #tpu.memory_space<semaphore_mem>>)
          %dma_wait3A_57 = arith.constant 0 : i32
          %dma_wait3A_58 = tpu.memref_slice %arg9[%multiple_of3A, %dma_wait3A_57] : memref<10000x64xf32, #tpu.memory_space<hbm>> -> memref<640x64xf32, #tpu.memory_space<hbm>>
          %dma_wait3A_59 = arith.constant 0 : i32
          %dma_wait3A_60 = tpu.memref_slice %arg19[%multiple_of3A, %dma_wait3A_59] : memref<10240x64xf32, #tpu.memory_space<vmem_shared>> -> memref<640x64xf32, #tpu.memory_space<vmem_shared>>
          tpu.wait_dma2 semaphore(%run_scoped3A : memref<!tpu.dma_semaphore, #tpu.memory_space<semaphore_mem>>) src(%dma_wait3A_60 : memref<640x64xf32, #tpu.memory_space<vmem_shared>>) dst(%dma_wait3A_58 : memref<640x64xf32, #tpu.memory_space<hbm>>)
          tpu.yield
        }) : () -> ()
      } else {
      }
      %eq3A_48 = arith.constant 1 : i32
      %eq3A_49 = arith.cmpi eq, %arg0, %eq3A_48 : i32
      %convert_element_type3A_50 = arith.extui %eq3A_49 : i1 to i32
      %cond3A_51 = arith.constant 0 : i32
      %cond3A_52 = arith.cmpi ne, %convert_element_type3A_50, %cond3A_51 : i32
      scf.if %cond3A_52 {
        "tpu.region"() ({
          %run_scoped3A = tpu.sem_alloc : memref<!tpu.dma_semaphore, #tpu.memory_space<semaphore_mem>>
          %dma_start3A_53 = arith.constant 0 : i32
          %dma_start3A_54 = tpu.memref_slice %arg10[%multiple_of3A, %dma_start3A_53] : memref<10000x64xf32, #tpu.memory_space<hbm>> -> memref<640x64xf32, #tpu.memory_space<hbm>>
          %dma_start3A_55 = arith.constant 0 : i32
          %dma_start3A_56 = tpu.memref_slice %arg19[%multiple_of3A, %dma_start3A_55] : memref<10240x64xf32, #tpu.memory_space<vmem_shared>> -> memref<640x64xf32, #tpu.memory_space<vmem_shared>>
          tpu.enqueue_dma source(%dma_start3A_56 : memref<640x64xf32, #tpu.memory_space<vmem_shared>>) target(%dma_start3A_54 : memref<640x64xf32, #tpu.memory_space<hbm>>) target_semaphore(%run_scoped3A : memref<!tpu.dma_semaphore, #tpu.memory_space<semaphore_mem>>)
          %dma_wait3A_57 = arith.constant 0 : i32
          %dma_wait3A_58 = tpu.memref_slice %arg10[%multiple_of3A, %dma_wait3A_57] : memref<10000x64xf32, #tpu.memory_space<hbm>> -> memref<640x64xf32, #tpu.memory_space<hbm>>
          %dma_wait3A_59 = arith.constant 0 : i32
          %dma_wait3A_60 = tpu.memref_slice %arg19[%multiple_of3A, %dma_wait3A_59] : memref<10240x64xf32, #tpu.memory_space<vmem_shared>> -> memref<640x64xf32, #tpu.memory_space<vmem_shared>>
          tpu.wait_dma2 semaphore(%run_scoped3A : memref<!tpu.dma_semaphore, #tpu.memory_space<semaphore_mem>>) src(%dma_wait3A_60 : memref<640x64xf32, #tpu.memory_space<vmem_shared>>) dst(%dma_wait3A_58 : memref<640x64xf32, #tpu.memory_space<hbm>>)
          tpu.yield
        }) : () -> ()
        "tpu.region"() ({
          %run_scoped3A = tpu.sem_alloc : memref<!tpu.dma_semaphore, #tpu.memory_space<semaphore_mem>>
          %dma_start3A_53 = arith.constant 0 : i32
          %dma_start3A_54 = tpu.memref_slice %arg11[%multiple_of3A, %dma_start3A_53] : memref<10000x8xf32, #tpu.memory_space<hbm>> -> memref<640x8xf32, #tpu.memory_space<hbm>>
          %dma_start3A_55 = arith.constant 0 : i32
          %dma_start3A_56 = tpu.memref_slice %arg20[%multiple_of3A, %dma_start3A_55] : memref<10240x8xf32, #tpu.memory_space<vmem_shared>> -> memref<640x8xf32, #tpu.memory_space<vmem_shared>>
          tpu.enqueue_dma source(%dma_start3A_56 : memref<640x8xf32, #tpu.memory_space<vmem_shared>>) target(%dma_start3A_54 : memref<640x8xf32, #tpu.memory_space<hbm>>) target_semaphore(%run_scoped3A : memref<!tpu.dma_semaphore, #tpu.memory_space<semaphore_mem>>)
          %dma_wait3A_57 = arith.constant 0 : i32
          %dma_wait3A_58 = tpu.memref_slice %arg11[%multiple_of3A, %dma_wait3A_57] : memref<10000x8xf32, #tpu.memory_space<hbm>> -> memref<640x8xf32, #tpu.memory_space<hbm>>
          %dma_wait3A_59 = arith.constant 0 : i32
          %dma_wait3A_60 = tpu.memref_slice %arg20[%multiple_of3A, %dma_wait3A_59] : memref<10240x8xf32, #tpu.memory_space<vmem_shared>> -> memref<640x8xf32, #tpu.memory_space<vmem_shared>>
          tpu.wait_dma2 semaphore(%run_scoped3A : memref<!tpu.dma_semaphore, #tpu.memory_space<semaphore_mem>>) src(%dma_wait3A_60 : memref<640x8xf32, #tpu.memory_space<vmem_shared>>) dst(%dma_wait3A_58 : memref<640x8xf32, #tpu.memory_space<hbm>>)
          tpu.yield
        }) : () -> ()
      } else {
      }
    } else {
    }
    %eq3A_38 = arith.constant 15 : i32
    %eq3A_39 = arith.cmpi eq, %arg1, %eq3A_38 : i32
    %convert_element_type3A_40 = arith.extui %eq3A_39 : i1 to i32
    %cond3A_41 = arith.constant 0 : i32
    %cond3A_42 = arith.cmpi ne, %convert_element_type3A_40, %cond3A_41 : i32
    scf.if %cond3A_42 {
      %eq3A_43 = arith.constant 0 : i32
      %eq3A_44 = arith.cmpi eq, %arg0, %eq3A_43 : i32
      %convert_element_type3A_45 = arith.extui %eq3A_44 : i1 to i32
      %cond3A_46 = arith.constant 0 : i32
      %cond3A_47 = arith.cmpi ne, %convert_element_type3A_45, %cond3A_46 : i32
      scf.if %cond3A_47 {
        "tpu.region"() ({
          %run_scoped3A = tpu.sem_alloc : memref<!tpu.dma_semaphore, #tpu.memory_space<semaphore_mem>>
          %dma_start3A_53 = arith.constant 0 : i32
          %dma_start3A_54 = tpu.memref_slice %arg9[%multiple_of3A, %dma_start3A_53] : memref<10000x64xf32, #tpu.memory_space<hbm>> -> memref<400x64xf32, #tpu.memory_space<hbm>>
          %dma_start3A_55 = arith.constant 0 : i32
          %dma_start3A_56 = tpu.memref_slice %arg19[%multiple_of3A, %dma_start3A_55] : memref<10240x64xf32, #tpu.memory_space<vmem_shared>> -> memref<400x64xf32, #tpu.memory_space<vmem_shared>>
          tpu.enqueue_dma source(%dma_start3A_56 : memref<400x64xf32, #tpu.memory_space<vmem_shared>>) target(%dma_start3A_54 : memref<400x64xf32, #tpu.memory_space<hbm>>) target_semaphore(%run_scoped3A : memref<!tpu.dma_semaphore, #tpu.memory_space<semaphore_mem>>)
          %dma_wait3A_57 = arith.constant 0 : i32
          %dma_wait3A_58 = tpu.memref_slice %arg9[%multiple_of3A, %dma_wait3A_57] : memref<10000x64xf32, #tpu.memory_space<hbm>> -> memref<400x64xf32, #tpu.memory_space<hbm>>
          %dma_wait3A_59 = arith.constant 0 : i32
          %dma_wait3A_60 = tpu.memref_slice %arg19[%multiple_of3A, %dma_wait3A_59] : memref<10240x64xf32, #tpu.memory_space<vmem_shared>> -> memref<400x64xf32, #tpu.memory_space<vmem_shared>>
          tpu.wait_dma2 semaphore(%run_scoped3A : memref<!tpu.dma_semaphore, #tpu.memory_space<semaphore_mem>>) src(%dma_wait3A_60 : memref<400x64xf32, #tpu.memory_space<vmem_shared>>) dst(%dma_wait3A_58 : memref<400x64xf32, #tpu.memory_space<hbm>>)
          tpu.yield
        }) : () -> ()
      } else {
      }
      %eq3A_48 = arith.constant 1 : i32
      %eq3A_49 = arith.cmpi eq, %arg0, %eq3A_48 : i32
      %convert_element_type3A_50 = arith.extui %eq3A_49 : i1 to i32
      %cond3A_51 = arith.constant 0 : i32
      %cond3A_52 = arith.cmpi ne, %convert_element_type3A_50, %cond3A_51 : i32
      scf.if %cond3A_52 {
        "tpu.region"() ({
          %run_scoped3A = tpu.sem_alloc : memref<!tpu.dma_semaphore, #tpu.memory_space<semaphore_mem>>
          %dma_start3A_53 = arith.constant 0 : i32
          %dma_start3A_54 = tpu.memref_slice %arg10[%multiple_of3A, %dma_start3A_53] : memref<10000x64xf32, #tpu.memory_space<hbm>> -> memref<400x64xf32, #tpu.memory_space<hbm>>
          %dma_start3A_55 = arith.constant 0 : i32
          %dma_start3A_56 = tpu.memref_slice %arg19[%multiple_of3A, %dma_start3A_55] : memref<10240x64xf32, #tpu.memory_space<vmem_shared>> -> memref<400x64xf32, #tpu.memory_space<vmem_shared>>
          tpu.enqueue_dma source(%dma_start3A_56 : memref<400x64xf32, #tpu.memory_space<vmem_shared>>) target(%dma_start3A_54 : memref<400x64xf32, #tpu.memory_space<hbm>>) target_semaphore(%run_scoped3A : memref<!tpu.dma_semaphore, #tpu.memory_space<semaphore_mem>>)
          %dma_wait3A_57 = arith.constant 0 : i32
          %dma_wait3A_58 = tpu.memref_slice %arg10[%multiple_of3A, %dma_wait3A_57] : memref<10000x64xf32, #tpu.memory_space<hbm>> -> memref<400x64xf32, #tpu.memory_space<hbm>>
          %dma_wait3A_59 = arith.constant 0 : i32
          %dma_wait3A_60 = tpu.memref_slice %arg19[%multiple_of3A, %dma_wait3A_59] : memref<10240x64xf32, #tpu.memory_space<vmem_shared>> -> memref<400x64xf32, #tpu.memory_space<vmem_shared>>
          tpu.wait_dma2 semaphore(%run_scoped3A : memref<!tpu.dma_semaphore, #tpu.memory_space<semaphore_mem>>) src(%dma_wait3A_60 : memref<400x64xf32, #tpu.memory_space<vmem_shared>>) dst(%dma_wait3A_58 : memref<400x64xf32, #tpu.memory_space<hbm>>)
          tpu.yield
        }) : () -> ()
        "tpu.region"() ({
          %run_scoped3A = tpu.sem_alloc : memref<!tpu.dma_semaphore, #tpu.memory_space<semaphore_mem>>
          %dma_start3A_53 = arith.constant 0 : i32
          %dma_start3A_54 = tpu.memref_slice %arg11[%multiple_of3A, %dma_start3A_53] : memref<10000x8xf32, #tpu.memory_space<hbm>> -> memref<400x8xf32, #tpu.memory_space<hbm>>
          %dma_start3A_55 = arith.constant 0 : i32
          %dma_start3A_56 = tpu.memref_slice %arg20[%multiple_of3A, %dma_start3A_55] : memref<10240x8xf32, #tpu.memory_space<vmem_shared>> -> memref<400x8xf32, #tpu.memory_space<vmem_shared>>
          tpu.enqueue_dma source(%dma_start3A_56 : memref<400x8xf32, #tpu.memory_space<vmem_shared>>) target(%dma_start3A_54 : memref<400x8xf32, #tpu.memory_space<hbm>>) target_semaphore(%run_scoped3A : memref<!tpu.dma_semaphore, #tpu.memory_space<semaphore_mem>>)
          %dma_wait3A_57 = arith.constant 0 : i32
          %dma_wait3A_58 = tpu.memref_slice %arg11[%multiple_of3A, %dma_wait3A_57] : memref<10000x8xf32, #tpu.memory_space<hbm>> -> memref<400x8xf32, #tpu.memory_space<hbm>>
          %dma_wait3A_59 = arith.constant 0 : i32
          %dma_wait3A_60 = tpu.memref_slice %arg20[%multiple_of3A, %dma_wait3A_59] : memref<10240x8xf32, #tpu.memory_space<vmem_shared>> -> memref<400x8xf32, #tpu.memory_space<vmem_shared>>
          tpu.wait_dma2 semaphore(%run_scoped3A : memref<!tpu.dma_semaphore, #tpu.memory_space<semaphore_mem>>) src(%dma_wait3A_60 : memref<400x8xf32, #tpu.memory_space<vmem_shared>>) dst(%dma_wait3A_58 : memref<400x8xf32, #tpu.memory_space<hbm>>)
          tpu.yield
        }) : () -> ()
      } else {
      }
    } else {
    }
    return
  }
}

module attributes {stable_mosaic.version = 14 : i64} {
  func.func @_lin_body(%arg0: i32, %arg1: memref<1000x256xf32, #tpu.memory_space<vmem>>, %arg2: memref<256x128xf32, #tpu.memory_space<vmem>>, %arg3: memref<256x128xf32, #tpu.memory_space<vmem>>, %arg4: memref<1x128xf32, #tpu.memory_space<vmem>>, %arg5: memref<1000x64xf32, #tpu.memory_space<vmem>>, %arg6: memref<1000x64xf32, #tpu.memory_space<vmem>>, %arg7: memref<1000x128xf32, #tpu.memory_space<vmem>>) attributes {dimension_semantics = [#tpu.dimension_semantics<arbitrary>], iteration_bounds = array<i64: 10>, scalar_prefetch = 0 : i64, scratch_operands = 0 : i64, tpu.core_type = #tpu.core_type<tc>, window_params = [{transform_indices = @transform_0, window_bounds = array<i64: 1000, 256>}, {pipeline_mode = #tpu.pipeline_mode<synchronous>, transform_indices = @transform_1, window_bounds = array<i64: 256, 128>}, {pipeline_mode = #tpu.pipeline_mode<synchronous>, transform_indices = @transform_2, window_bounds = array<i64: 256, 128>}, {pipeline_mode = #tpu.pipeline_mode<synchronous>, transform_indices = @transform_3, window_bounds = array<i64: 1, 128>}, {transform_indices = @transform_4, window_bounds = array<i64: 1000, 64>}, {transform_indices = @transform_5, window_bounds = array<i64: 1000, 64>}, {transform_indices = @transform_6, window_bounds = array<i64: 1000, 128>}]} {
    %get3A = arith.constant 0 : index
    %get3A_0 = arith.constant 0 : index
    %get3A_1 = vector.load %arg1[%get3A, %get3A_0] : memref<1000x256xf32, #tpu.memory_space<vmem>>, vector<1000x256xf32>
    %get3A_2 = arith.constant 0 : index
    %get3A_3 = arith.constant 0 : index
    %get3A_4 = vector.load %arg2[%get3A_2, %get3A_3] : memref<256x128xf32, #tpu.memory_space<vmem>>, vector<256x128xf32>
    %dot_general3A = arith.constant dense<0.000000e+00> : vector<1000x128xf32>
    %dot_general3A_5 = tpu.matmul %get3A_1, %get3A_4, %dot_general3A {dimension_numbers = #tpu.dot_dimension_numbers<[1], [0], [0], [1], [0, 0, 1, 1], [], []>, transpose_lhs_hint = false} : vector<1000x256xf32>, vector<256x128xf32>, vector<1000x128xf32> -> vector<1000x128xf32>
    %slice3A = vector.extract_strided_slice %dot_general3A_5 {offsets = [0, 0], sizes = [1000, 64], strides = [1, 1]} : vector<1000x128xf32> to vector<1000x64xf32>
    %swap3A = arith.constant 0 : index
    %swap3A_6 = arith.constant 0 : index
    %swap3A_7 = vector.load %arg5[%swap3A, %swap3A_6] : memref<1000x64xf32, #tpu.memory_space<vmem>>, vector<1000x64xf32>
    tpu.vector_store %arg5[%swap3A, %swap3A_6], %slice3A {strides = array<i32>} : memref<1000x64xf32, #tpu.memory_space<vmem>>, vector<1000x64xf32>,
    %slice3A_8 = vector.extract_strided_slice %dot_general3A_5 {offsets = [0, 64], sizes = [1000, 64], strides = [1, 1]} : vector<1000x128xf32> to vector<1000x64xf32>
    %swap3A_9 = arith.constant 0 : index
    %swap3A_10 = arith.constant 0 : index
    %swap3A_11 = vector.load %arg6[%swap3A_9, %swap3A_10] : memref<1000x64xf32, #tpu.memory_space<vmem>>, vector<1000x64xf32>
    tpu.vector_store %arg6[%swap3A_9, %swap3A_10], %slice3A_8 {strides = array<i32>} : memref<1000x64xf32, #tpu.memory_space<vmem>>, vector<1000x64xf32>,
    %get3A_12 = arith.constant 0 : index
    %get3A_13 = arith.constant 0 : index
    %get3A_14 = vector.load %arg3[%get3A_12, %get3A_13] : memref<256x128xf32, #tpu.memory_space<vmem>>, vector<256x128xf32>
    %dot_general3A_15 = arith.constant dense<0.000000e+00> : vector<1000x128xf32>
    %dot_general3A_16 = tpu.matmul %get3A_1, %get3A_14, %dot_general3A_15 {dimension_numbers = #tpu.dot_dimension_numbers<[1], [0], [0], [1], [0, 0, 1, 1], [], []>, transpose_lhs_hint = false} : vector<1000x256xf32>, vector<256x128xf32>, vector<1000x128xf32> -> vector<1000x128xf32>
    %get3A_17 = arith.constant 0 : index
    %get3A_18 = arith.constant 0 : index
    %get3A_19 = vector.load %arg4[%get3A_17, %get3A_18] : memref<1x128xf32, #tpu.memory_space<vmem>>, vector<1x128xf32>
    %add3A = vector.broadcast %get3A_19 : vector<1x128xf32> to vector<1000x128xf32>
    %add3A_20 = arith.addf %dot_general3A_16, %add3A : vector<1000x128xf32>
    %swap3A_21 = arith.constant 0 : index
    %swap3A_22 = arith.constant 0 : index
    %swap3A_23 = vector.load %arg7[%swap3A_21, %swap3A_22] : memref<1000x128xf32, #tpu.memory_space<vmem>>, vector<1000x128xf32>
    tpu.vector_store %arg7[%swap3A_21, %swap3A_22], %add3A_20 {strides = array<i32>} : memref<1000x128xf32, #tpu.memory_space<vmem>>, vector<1000x128xf32>,
    return
  }
  func.func @transform_0(%arg0: i32) -> (i32, i32) {
    %c0_i32 = arith.constant 0 : i32
    %c0_i32_0 = arith.constant 0 : i32
    return %arg0, %c0_i32 : i32, i32
  }
  func.func @transform_1(%arg0: i32) -> (i32, i32) {
    %c0_i32 = arith.constant 0 : i32
    %c0_i32_0 = arith.constant 0 : i32
    %c0_i32_1 = arith.constant 0 : i32
    return %c0_i32, %c0_i32_0 : i32, i32
  }
  func.func @transform_2(%arg0: i32) -> (i32, i32) {
    %c0_i32 = arith.constant 0 : i32
    %c0_i32_0 = arith.constant 0 : i32
    %c0_i32_1 = arith.constant 0 : i32
    return %c0_i32, %c0_i32_0 : i32, i32
  }
  func.func @transform_3(%arg0: i32) -> (i32, i32) {
    %c0_i32 = arith.constant 0 : i32
    %c0_i32_0 = arith.constant 0 : i32
    %c0_i32_1 = arith.constant 0 : i32
    return %c0_i32, %c0_i32_0 : i32, i32
  }
  func.func @transform_4(%arg0: i32) -> (i32, i32) {
    %c0_i32 = arith.constant 0 : i32
    %c0_i32_0 = arith.constant 0 : i32
    return %arg0, %c0_i32 : i32, i32
  }
  func.func @transform_5(%arg0: i32) -> (i32, i32) {
    %c0_i32 = arith.constant 0 : i32
    %c0_i32_0 = arith.constant 0 : i32
    return %arg0, %c0_i32 : i32, i32
  }
  func.func @transform_6(%arg0: i32) -> (i32, i32) {
    %c0_i32 = arith.constant 0 : i32
    %c0_i32_0 = arith.constant 0 : i32
    return %arg0, %c0_i32 : i32, i32
  }
}

module attributes {stable_mosaic.version = 14 : i64} {
  func.func @_fin_body(%arg0: i32, %arg1: memref<400x64xf32, #tpu.memory_space<vmem>>, %arg2: memref<400x64xf32, #tpu.memory_space<vmem>>, %arg3: memref<400x8xf32, #tpu.memory_space<vmem>>, %arg4: memref<400x128xf32, #tpu.memory_space<vmem>>, %arg5: memref<400x1xf32, #tpu.memory_space<vmem>>, %arg6: memref<128x2xf32, #tpu.memory_space<vmem>>, %arg7: memref<1x2xf32, #tpu.memory_space<vmem>>, %arg8: memref<128x2xf32, #tpu.memory_space<vmem>>, %arg9: memref<128x128xf32, #tpu.memory_space<vmem>>) attributes {dimension_semantics = [#tpu.dimension_semantics<arbitrary>], iteration_bounds = array<i64: 25>, scalar_prefetch = 0 : i64, scratch_operands = 1 : i64, tpu.core_type = #tpu.core_type<tc>, window_params = [{transform_indices = @transform_0, window_bounds = array<i64: 400, 64>}, {transform_indices = @transform_1, window_bounds = array<i64: 400, 64>}, {transform_indices = @transform_2, window_bounds = array<i64: 400, 8>}, {transform_indices = @transform_3, window_bounds = array<i64: 400, 128>}, {transform_indices = @transform_4, window_bounds = array<i64: 400, 1>}, {pipeline_mode = #tpu.pipeline_mode<synchronous>, transform_indices = @transform_5, window_bounds = array<i64: 128, 2>}, {pipeline_mode = #tpu.pipeline_mode<synchronous>, transform_indices = @transform_6, window_bounds = array<i64: 1, 2>}, {pipeline_mode = #tpu.pipeline_mode<synchronous>, transform_indices = @transform_7, window_bounds = array<i64: 128, 2>}]} {
    %eq3A = arith.constant 0 : i32
    %eq3A_0 = arith.cmpi eq, %arg0, %eq3A : i32
    %convert_element_type3A = arith.extui %eq3A_0 : i1 to i32
    %cond3A = arith.constant 0 : i32
    %cond3A_1 = arith.cmpi ne, %convert_element_type3A, %cond3A : i32
    scf.if %cond3A_1 {
      %broadcast_in_dim3A = arith.constant 0.000000e+00 : f32
      %broadcast_in_dim3A_47 = vector.broadcast %broadcast_in_dim3A : f32 to vector<128x128xf32>
      %swap3A = arith.constant 0 : index
      %swap3A_48 = arith.constant 0 : index
      %swap3A_49 = vector.load %arg9[%swap3A, %swap3A_48] : memref<128x128xf32, #tpu.memory_space<vmem>>, vector<128x128xf32>
      tpu.vector_store %arg9[%swap3A, %swap3A_48], %broadcast_in_dim3A_47 {strides = array<i32>} : memref<128x128xf32, #tpu.memory_space<vmem>>, vector<128x128xf32>,
    } else {
    }
    %get3A = arith.constant 0 : index
    %get3A_2 = arith.constant 0 : index
    %get3A_3 = vector.load %arg3[%get3A, %get3A_2] : memref<400x8xf32, #tpu.memory_space<vmem>>, vector<400x1xf32>
    %get3A_4 = arith.constant 0 : index
    %get3A_5 = arith.constant 0 : index
    %get3A_6 = vector.load %arg1[%get3A_4, %get3A_5] : memref<400x64xf32, #tpu.memory_space<vmem>>, vector<400x64xf32>
    %get3A_7 = arith.constant 0 : index
    %get3A_8 = arith.constant 0 : index
    %get3A_9 = vector.load %arg2[%get3A_7, %get3A_8] : memref<400x64xf32, #tpu.memory_space<vmem>>, vector<400x64xf32>
    %concatenate3A = tpu.concatenate %get3A_6, %get3A_9 in 1 : vector<400x64xf32>, vector<400x64xf32> -> vector<400x128xf32>
    %max3A = arith.constant 1.000000e+00 : f32
    %max3A_10 = vector.broadcast %max3A : f32 to vector<400x1xf32>
    %max3A_11 = arith.maximumf %get3A_3, %max3A_10 : vector<400x1xf32>
    %div3A = vector.broadcast %max3A_11 : vector<400x1xf32> to vector<400x128xf32>
    %div3A_12 = arith.divf %concatenate3A, %div3A : vector<400x128xf32>
    %get3A_13 = arith.constant 0 : index
    %get3A_14 = arith.constant 0 : index
    %get3A_15 = vector.load %arg4[%get3A_13, %get3A_14] : memref<400x128xf32, #tpu.memory_space<vmem>>, vector<400x128xf32>
    %add3A = arith.addf %div3A_12, %get3A_15 : vector<400x128xf32>
    %max3A_16 = arith.constant 0.000000e+00 : f32
    %max3A_17 = vector.broadcast %max3A_16 : f32 to vector<400x128xf32>
    %max3A_18 = arith.maximumf %add3A, %max3A_17 : vector<400x128xf32>
    %get3A_19 = arith.constant 0 : index
    %get3A_20 = arith.constant 0 : index
    %get3A_21 = vector.load %arg5[%get3A_19, %get3A_20] : memref<400x1xf32, #tpu.memory_space<vmem>>, vector<400x1xf32>
    %reduce_min3A = vector.shape_cast %get3A_21 : vector<400x1xf32> to vector<1x400x1xf32>
    %reduce_min3A_22 = arith.constant dense<0x7F800000> : vector<1xf32>
    %reduce_min3A_23 = vector.multi_reduction <minimumf>, %reduce_min3A, %reduce_min3A_22 [1, 2] : vector<1x400x1xf32> to vector<1xf32>
    %reduce_min3A_24 = vector.shape_cast %reduce_min3A_23 : vector<1xf32> to vector<1x1x1xf32>
    %reduce_min3A_25 = vector.extract %reduce_min3A_24[0, 0, 0] : f32 from vector<1x1x1xf32>
    %convert_element_type3A_26 = arith.fptosi %reduce_min3A_25 : f32 to i32
    %reduce_max3A = vector.shape_cast %get3A_21 : vector<400x1xf32> to vector<1x400x1xf32>
    %reduce_max3A_27 = arith.constant dense<0xFF800000> : vector<1xf32>
    %reduce_max3A_28 = vector.multi_reduction <maximumf>, %reduce_max3A, %reduce_max3A_27 [1, 2] : vector<1x400x1xf32> to vector<1xf32>
    %reduce_max3A_29 = vector.shape_cast %reduce_max3A_28 : vector<1xf32> to vector<1x1x1xf32>
    %reduce_max3A_30 = vector.extract %reduce_max3A_29[0, 0, 0] : f32 from vector<1x1x1xf32>
    %convert_element_type3A_31 = arith.fptosi %reduce_max3A_30 : f32 to i32
    %add3A_32 = arith.constant 1 : i32
    %add3A_33 = arith.addi %convert_element_type3A_31, %add3A_32 : i32
    %while3A = arith.constant 0 : i32
    %while3A_34 = arith.subi %add3A_33, %convert_element_type3A_26 : i32
    %while3A_35 = arith.addi %convert_element_type3A_26, %while3A_34 : i32
    %while3A_36 = arith.constant 1 : i32
    %while3A_37 = arith.divsi %while3A_34, %while3A_36 : i32
    %while3A_38 = arith.muli %while3A_37, %while3A_36 : i32
    %while3A_39 = arith.addi %convert_element_type3A_26, %while3A_38 : i32
    %while3A_40 = arith.constant 1 : i32
    scf.for %while3A_47 = %convert_element_type3A_26 to %while3A_39 step %while3A_40  : i32 {
      %convert_element_type3A_48 = arith.sitofp %while3A_47 : i32 to f32
      %eq3A_49 = vector.broadcast %convert_element_type3A_48 : f32 to vector<400x1xf32>
      %eq3A_50 = arith.cmpf oeq, %get3A_21, %eq3A_49 : vector<400x1xf32>
      %jit3A = arith.constant 0.000000e+00 : f32
      %broadcast_in_dim3A = vector.shape_cast %eq3A_50 : vector<400x1xi1> to vector<400x1xi1>
      %broadcast_in_dim3A_51 = vector.broadcast %broadcast_in_dim3A : vector<400x1xi1> to vector<400x128xi1>
      %broadcast_in_dim3A_52 = vector.broadcast %jit3A : f32 to vector<400x128xf32>
      %select_n3A = arith.select %broadcast_in_dim3A_51, %max3A_18, %broadcast_in_dim3A_52 : vector<400x128xi1>, vector<400x128xf32>
      %reduce_max3A_53 = arith.constant dense<0xFF800000> : vector<128xf32>
      %reduce_max3A_54 = vector.multi_reduction <maximumf>, %select_n3A, %reduce_max3A_53 [0] : vector<400x128xf32> to vector<128xf32>
      %broadcast_in_dim3A_55 = vector.shape_cast %reduce_max3A_54 : vector<128xf32> to vector<1x128xf32>
      %get3A_56 = arith.index_cast %while3A_47 : i32 to index
      %get3A_57 = arith.constant 0 : index
      %get3A_58 = vector.load %arg9[%get3A_56, %get3A_57] : memref<128x128xf32, #tpu.memory_space<vmem>>, vector<1x128xf32>
      %max3A_59 = arith.maximumf %get3A_58, %broadcast_in_dim3A_55 : vector<1x128xf32>
      %swap3A = arith.index_cast %while3A_47 : i32 to index
      %swap3A_60 = arith.constant 0 : index
      %swap3A_61 = vector.load %arg9[%swap3A, %swap3A_60] : memref<128x128xf32, #tpu.memory_space<vmem>>, vector<1x128xf32>
      tpu.vector_store %arg9[%swap3A, %swap3A_60], %max3A_59 {strides = array<i32>} : memref<128x128xf32, #tpu.memory_space<vmem>>, vector<1x128xf32>,
    }
    %while3A_41 = arith.constant 1 : i32
    scf.for %while3A_47 = %while3A_39 to %while3A_35 step %while3A_41  : i32 {
      %convert_element_type3A_48 = arith.sitofp %while3A_47 : i32 to f32
      %eq3A_49 = vector.broadcast %convert_element_type3A_48 : f32 to vector<400x1xf32>
      %eq3A_50 = arith.cmpf oeq, %get3A_21, %eq3A_49 : vector<400x1xf32>
      %jit3A = arith.constant 0.000000e+00 : f32
      %broadcast_in_dim3A = vector.shape_cast %eq3A_50 : vector<400x1xi1> to vector<400x1xi1>
      %broadcast_in_dim3A_51 = vector.broadcast %broadcast_in_dim3A : vector<400x1xi1> to vector<400x128xi1>
      %broadcast_in_dim3A_52 = vector.broadcast %jit3A : f32 to vector<400x128xf32>
      %select_n3A = arith.select %broadcast_in_dim3A_51, %max3A_18, %broadcast_in_dim3A_52 : vector<400x128xi1>, vector<400x128xf32>
      %reduce_max3A_53 = arith.constant dense<0xFF800000> : vector<128xf32>
      %reduce_max3A_54 = vector.multi_reduction <maximumf>, %select_n3A, %reduce_max3A_53 [0] : vector<400x128xf32> to vector<128xf32>
      %broadcast_in_dim3A_55 = vector.shape_cast %reduce_max3A_54 : vector<128xf32> to vector<1x128xf32>
      %get3A_56 = arith.index_cast %while3A_47 : i32 to index
      %get3A_57 = arith.constant 0 : index
      %get3A_58 = vector.load %arg9[%get3A_56, %get3A_57] : memref<128x128xf32, #tpu.memory_space<vmem>>, vector<1x128xf32>
      %max3A_59 = arith.maximumf %get3A_58, %broadcast_in_dim3A_55 : vector<1x128xf32>
      %swap3A = arith.index_cast %while3A_47 : i32 to index
      %swap3A_60 = arith.constant 0 : index
      %swap3A_61 = vector.load %arg9[%swap3A, %swap3A_60] : memref<128x128xf32, #tpu.memory_space<vmem>>, vector<1x128xf32>
      tpu.vector_store %arg9[%swap3A, %swap3A_60], %max3A_59 {strides = array<i32>} : memref<128x128xf32, #tpu.memory_space<vmem>>, vector<1x128xf32>,
    }
    %eq3A_42 = arith.constant 24 : i32
    %eq3A_43 = arith.cmpi eq, %arg0, %eq3A_42 : i32
    %convert_element_type3A_44 = arith.extui %eq3A_43 : i1 to i32
    %cond3A_45 = arith.constant 0 : i32
    %cond3A_46 = arith.cmpi ne, %convert_element_type3A_44, %cond3A_45 : i32
    scf.if %cond3A_46 {
      %get3A_47 = arith.constant 0 : index
      %get3A_48 = arith.constant 0 : index
      %get3A_49 = vector.load %arg9[%get3A_47, %get3A_48] : memref<128x128xf32, #tpu.memory_space<vmem>>, vector<128x128xf32>
      %get3A_50 = arith.constant 0 : index
      %get3A_51 = arith.constant 0 : index
      %get3A_52 = vector.load %arg6[%get3A_50, %get3A_51] : memref<128x2xf32, #tpu.memory_space<vmem>>, vector<128x2xf32>
      %dot_general3A = arith.constant dense<0.000000e+00> : vector<128x2xf32>
      %dot_general3A_53 = tpu.matmul %get3A_49, %get3A_52, %dot_general3A {dimension_numbers = #tpu.dot_dimension_numbers<[1], [0], [0], [1], [0, 0, 1, 1], [], []>, transpose_lhs_hint = false} : vector<128x128xf32>, vector<128x2xf32>, vector<128x2xf32> -> vector<128x2xf32>
      %get3A_54 = arith.constant 0 : index
      %get3A_55 = arith.constant 0 : index
      %get3A_56 = vector.load %arg7[%get3A_54, %get3A_55] : memref<1x2xf32, #tpu.memory_space<vmem>>, vector<1x2xf32>
      %add3A_57 = vector.broadcast %get3A_56 : vector<1x2xf32> to vector<128x2xf32>
      %add3A_58 = arith.addf %dot_general3A_53, %add3A_57 : vector<128x2xf32>
      %reduce_max3A_59 = arith.constant dense<0xFF800000> : vector<128xf32>
      %reduce_max3A_60 = vector.multi_reduction <maximumf>, %add3A_58, %reduce_max3A_59 [1] : vector<128x2xf32> to vector<128xf32>
      %broadcast_in_dim3A = vector.shape_cast %reduce_max3A_60 : vector<128xf32> to vector<128x1xf32>
      %sub3A = vector.broadcast %broadcast_in_dim3A : vector<128x1xf32> to vector<128x2xf32>
      %sub3A_61 = arith.subf %add3A_58, %sub3A : vector<128x2xf32>
      %exp3A = math.exp %sub3A_61 : vector<128x2xf32>
      %reduce_sum3A = arith.constant dense<0.000000e+00> : vector<128xf32>
      %reduce_sum3A_62 = vector.multi_reduction <add>, %exp3A, %reduce_sum3A [1] : vector<128x2xf32> to vector<128xf32>
      %broadcast_in_dim3A_63 = vector.shape_cast %reduce_sum3A_62 : vector<128xf32> to vector<128x1xf32>
      %log3A = math.log %broadcast_in_dim3A_63 : vector<128x1xf32>
      %add3A_64 = arith.addf %log3A, %broadcast_in_dim3A : vector<128x1xf32>
      %sub3A_65 = vector.broadcast %add3A_64 : vector<128x1xf32> to vector<128x2xf32>
      %sub3A_66 = arith.subf %add3A_58, %sub3A_65 : vector<128x2xf32>
      %swap3A = arith.constant 0 : index
      %swap3A_67 = arith.constant 0 : index
      %swap3A_68 = vector.load %arg8[%swap3A, %swap3A_67] : memref<128x2xf32, #tpu.memory_space<vmem>>, vector<128x2xf32>
      tpu.vector_store %arg8[%swap3A, %swap3A_67], %sub3A_66 {strides = array<i32>} : memref<128x2xf32, #tpu.memory_space<vmem>>, vector<128x2xf32>,
    } else {
    }
    return
  }
  func.func @transform_0(%arg0: i32) -> (i32, i32) {
    %c0_i32 = arith.constant 0 : i32
    %c0_i32_0 = arith.constant 0 : i32
    return %arg0, %c0_i32 : i32, i32
  }
  func.func @transform_1(%arg0: i32) -> (i32, i32) {
    %c0_i32 = arith.constant 0 : i32
    %c0_i32_0 = arith.constant 0 : i32
    return %arg0, %c0_i32 : i32, i32
  }
  func.func @transform_2(%arg0: i32) -> (i32, i32) {
    %c0_i32 = arith.constant 0 : i32
    %c0_i32_0 = arith.constant 0 : i32
    return %arg0, %c0_i32 : i32, i32
  }
  func.func @transform_3(%arg0: i32) -> (i32, i32) {
    %c0_i32 = arith.constant 0 : i32
    %c0_i32_0 = arith.constant 0 : i32
    return %arg0, %c0_i32 : i32, i32
  }
  func.func @transform_4(%arg0: i32) -> (i32, i32) {
    %c0_i32 = arith.constant 0 : i32
    %c0_i32_0 = arith.constant 0 : i32
    return %arg0, %c0_i32 : i32, i32
  }
  func.func @transform_5(%arg0: i32) -> (i32, i32) {
    %c0_i32 = arith.constant 0 : i32
    %c0_i32_0 = arith.constant 0 : i32
    %c0_i32_1 = arith.constant 0 : i32
    return %c0_i32, %c0_i32_0 : i32, i32
  }
  func.func @transform_6(%arg0: i32) -> (i32, i32) {
    %c0_i32 = arith.constant 0 : i32
    %c0_i32_0 = arith.constant 0 : i32
    %c0_i32_1 = arith.constant 0 : i32
    return %c0_i32, %c0_i32_0 : i32, i32
  }
  func.func @transform_7(%arg0: i32) -> (i32, i32) {
    %c0_i32 = arith.constant 0 : i32
    %c0_i32_0 = arith.constant 0 : i32
    %c0_i32_1 = arith.constant 0 : i32
    return %c0_i32, %c0_i32_0 : i32, i32
  }
}

</mosaic_0001>

<sc_bundles>
// kernel: kernel.5.cloned.1.call-start
scs
__scs_entry_jumppad:
0x0: {  	(pc) =	sbr.rel $0x88, $3  }
0x1: {  	(tag) =	ssettag $0x0;
	lr =	simm.s32 $0x1  }
0x2: {  	[smem:$0x3F99] =	sst lr;
	_ =	strace $0xD0000000  }
0x3: {  	_ = 	snop  }
0x4: {  	_ = 	snop  }
0x5: {  	_ = 	snop  }
0x6: {  	_ = 	snop  }
0x7: {  	_ = 	snop  }
__scs_overlays_trampoline_lowered:
0x8: {  	[smem:$0x3FA8] =	sst s0  }
0x9: {  	[smem:$0x3FA9] =	sst s1  }
0xa: {  	[smem:$0x3FAA] =	sst s2  }
0xb: {  	[smem:$0x3FAB] =	sst s3  }
0xc: {  	[smem:$0x3FAC] =	sst s4  }
0xd: {  	[smem:$0x3FAD] =	sst s5  }
0xe: {  	[smem:$0x3FAE] =	sst s6  }
0xf: {  	[smem:$0x3FAF] =	sst s7  }
0x10: {  	[smem:$0x3FB0] =	sst s8  }
0x11: {  	[smem:$0x3FB1] =	sst s9;
	s0 =	simm.s32 @!p0 $0x0  }
0x12: {  	s1 =	sld [smem:$0x3F97];
	s0 =	simm.s32 @p0 $0x1  }
0x13: {  	[smem:$0x3FB2] =	sst s0;
	s0 =	simm.s32 @!p1 $0x0  }
0x14: {  	s2 =	sld [smem:$0x3F96];
	s0 =	simm.s32 @p1 $0x1  }
0x15: {  	[smem:$0x3FB3] =	sst s0;
	s0 =	simm.s32 @!p2 $0x0  }
0x16: {  	s3 =	sld [smem:$0x3FDB];
	s0 =	simm.s32 @p2 $0x1  }
0x17: {  	s4 =	simm.s32 $0x1BF5;
	[smem:$0x3FB5] =	sst s0  }
0x18: {  	s0 =	sld [smem:$0x3F98];
	_ =	swait.ge [sflag:s4], $0x0  }
0x19: {  	s7 =	sld [smem:$0x3F99]  }
0x1a: {  	s8 =	sadd.s32 $0xFFFFE003, lr  }
0x1b: {  	s9 =	sadd.s32 $0xFFFFFEF7, lr;
	s5 =	simm.s32 $0xFFFFFFFF;
	p2 =	slt.u32 s8, $0xFFFFF086  }
0x1c: {  	p1 =	slt.u32 s9, $0xF7A;
	s5 =	simm.s32 @!p2 $0x0  }
0x1d: {  	s5 =	simm.s32 @p1 $0x1;
	p0 =	seq.s32 s7, s2  }
0x1e: {  	s7 =	smul.u32 @!p0 $0xF7A, s2;
	p2 =	seq.s32 @!p0 s5, $0x0  }
0x1f: {  	s9 =	smul.u32 $0xF7A, s1;
	s8 =	simm.s32 @!p0 $0x1BF5;
	p2 =	por !p2, p0  }
0x20: {  	[sflag:s8] =	ssyncset.s32 @!p0 $0xFFFFF086;
	s6 =	sadd.s32 @!p0 s3, s7;
	s7 =	simm.s32 @!p0 $0x108  }
0x21: {  	s3 =	sadd.s32 s3, s9;
	s6 =	sadd.s32 @!p0 $0x88, s6;
	s7 =	simm.s32 @p2 $0x1082  }
0x22: {  	[simem:s7], [sflag:s8] =	dma.local @!p0 [hbm:s6], $0xF7A  }
0x23: {  	s9 =	sor.u32 $0xD0000000, s2;
	s6 =	simm.s32 $0x108;
	_ =	swait.ge @!p0 [sflag:s8], $0x0  }
0x24: {  	s3 =	sadd.s32 $0x88, s3;
	s6 =	simm.s32 @!p1 $0x1082;
	[sflag:s4] =	ssyncset.s32 $0xFFFFF086  }
0x25: {  	[simem:s6], [sflag:s4] =	dma.local [hbm:s3], $0xF7A  }
0x26: {  	[smem:$0x3F99] =	sst s1;
	(tag) =	ssettag s2;
	_ =	strace s9  }
0x27: {  	s1 =	sld [smem:$0x3FA9]  }
0x28: {  	s2 =	sld [smem:$0x3FAA]  }
0x29: {  	s4 =	sld [smem:$0x3FAC]  }
0x2a: {  	p0 =	seq.s32 s5, $0x0;
	s5 =	sld [smem:$0x3FAD]  }
0x2b: {  	s6 =	sld [smem:$0x3FAE]  }
0x2c: {  	s7 =	sld [smem:$0x3FAF]  }
0x2d: {  	s3 =	simm.s32 $0x108;
	s8 =	sld [smem:$0x3FB0]  }
0x2e: {  	s3 =	simm.s32 @!p0 $0x1082;
	s9 =	sld [smem:$0x3FB1]  }
0x2f: {  	lr =	sadd.s32 s0, s3;
	s0 =	sld [smem:$0x3FA8]  }
0x30: {  	s3 =	sld [smem:$0x3FAB]  }
0x31: {  	[smem:$0x3FB4] =	sst s10  }
0x32: {  	s10 =	sld [smem:$0x3FB2];
	_ =	sdelay $0x3  }
0x33: {  	p0 =	seq.s32 s10, $0x1;
	s10 =	sld [smem:$0x3FB4];
	_ =	sdelay $0x3  }
0x34: {  	[smem:$0x3FB4] =	sst s10  }
0x35: {  	s10 =	sld [smem:$0x3FB3];
	_ =	sdelay $0x3  }
0x36: {  	p1 =	seq.s32 s10, $0x1;
	s10 =	sld [smem:$0x3FB4];
	_ =	sdelay $0x3  }
0x37: {  	[smem:$0x3FB4] =	sst s10  }
0x38: {  	s10 =	sld [smem:$0x3FB5]  }
0x39: {  	_ = 	snop;
	(pc) =	sbr.ind lr, $3  }
0x3a: {  	_ = 	snop  }
0x3b: {  	_ = 	snop  }
0x3c: {  	p2 =	seq.s32 s10, $0x1;
	s10 =	sld [smem:$0x3FB4]  }
0x3d: {  	_ =	shalt  }
0x3e: {  	_ =	shalt  }
0x3f: {  	_ =	shalt  }
0x40: {  	_ =	shalt  }
0x41: {  	_ =	shalt  }
0x42: {  	_ =	shalt  }
0x43: {  	_ =	shalt  }
0x44: {  	_ =	shalt  }
0x45: {  	_ =	shalt  }
0x46: {  	_ =	shalt  }
0x47: {  	_ =	shalt  }
0x48: {  	_ =	shalt  }
0x49: {  	_ =	shalt  }
0x4a: {  	_ =	shalt  }
0x4b: {  	_ =	shalt  }
0x4c: {  	_ =	shalt  }
0x4d: {  	_ =	shalt  }
0x4e: {  	_ =	shalt  }
0x4f: {  	_ =	shalt  }
0x50: {  	_ =	shalt  }
0x51: {  	_ =	shalt  }
0x52: {  	_ =	shalt  }
0x53: {  	_ =	shalt  }
0x54: {  	_ =	shalt  }
0x55: {  	_ =	shalt  }
0x56: {  	_ =	shalt  }
0x57: {  	_ =	shalt  }
0x58: {  	_ =	shalt  }
0x59: {  	_ =	shalt  }
0x5a: {  	_ =	shalt  }
0x5b: {  	_ =	shalt  }
0x5c: {  	_ =	shalt  }
0x5d: {  	_ =	shalt  }
0x5e: {  	_ =	shalt  }
0x5f: {  	_ =	shalt  }
0x60: {  	_ =	shalt  }
0x61: {  	_ =	shalt  }
0x62: {  	_ =	shalt  }
0x63: {  	_ =	shalt  }
0x64: {  	_ =	shalt  }
0x65: {  	_ =	shalt  }
0x66: {  	_ =	shalt  }
0x67: {  	_ =	shalt  }
0x68: {  	_ =	shalt  }
0x69: {  	_ =	shalt  }
0x6a: {  	_ =	shalt  }
0x6b: {  	_ =	shalt  }
0x6c: {  	_ =	shalt  }
0x6d: {  	_ =	shalt  }
0x6e: {  	_ =	shalt  }
0x6f: {  	_ =	shalt  }
0x70: {  	_ =	shalt  }
0x71: {  	_ =	shalt  }
0x72: {  	_ =	shalt  }
0x73: {  	_ =	shalt  }
0x74: {  	_ =	shalt  }
0x75: {  	_ =	shalt  }
0x76: {  	_ =	shalt  }
0x77: {  	_ =	shalt  }
0x78: {  	_ =	shalt  }
0x79: {  	_ =	shalt  }
0x7a: {  	_ =	shalt  }
0x7b: {  	_ =	shalt  }
0x7c: {  	_ =	shalt  }
0x7d: {  	_ =	shalt  }
0x7e: {  	_ =	shalt  }
0x7f: {  	_ =	shalt  }
0x80: {  	_ =	shalt  }
0x81: {  	_ =	shalt  }
0x82: {  	_ =	shalt  }
0x83: {  	_ =	shalt  }
0x84: {  	_ =	shalt  }
0x85: {  	_ =	shalt  }
0x86: {  	_ =	shalt  }
0x87: {  	_ =	shalt  }
.Lfunc_end0:
.L_simem_size_0:
called_computation_lowered:
.L_overlay_start_0:
0x88: {  	s2 =	sld [smem:$0x3FD9]  }
0x89: {  	s3 =	sld [smem:$0x3FFE];
	_ =	sdelay $0x1  }
0x8a: {  	s1 =	srdreg.scid  }
0x8b: {  	s0 =	sand.u32 $0x1, s1  }
0x8c: {  	s16 =	sshll.u32 s0, $0xA;
	s2 =	sadd.s32 s3, s2  }
0x8d: {  	s2 =	sadd.s32 s2, s16  }
0x8e: {  	[smem:$0x3FC0] =	sst s2  }
0x8f: {  	_ = 	snop  }
0x90: {  	(tm) =	ssettm $0x1  }
0x91: {  	s17 =	sld [smem:$0x3FFB];
	_ =	sdelay $0x3  }
0x92: {  	_ =	strace s17  }
0x93: {  	s2 =	sld [smem:$0x3FFC];
	_ =	sdelay $0x3  }
0x94: {  	_ =	strace s2  }
0x95: {  	s2 =	sld [smem:$0x3FFD];
	_ =	sdelay $0x3  }
0x96: {  	_ =	strace s2  }
0x97: {  	_ =	strace $0x8FFFFFFF  }
0x98: {  	s18 =	sld [smem:$0x3FDB];
	_ =	sdelay $0x1  }
0x99: {  	s19 =	simm.s32 $_scs_section_size  }
0x9a: {  	s4 =	simm.s32 $_size__tile_overlayer_lowered;
	s5 =	simm.s32 $_tile_overlayer_lowered  }
0x9b: {  	s22 =	simm.s32 $0x1BFF;
	s21 =	sshll.u32 s5, $0x1;
	s2 =	sadd.s32 s19, s18  }
0x9c: {  	s6 =	simm.s32 $0x0;
	s20 =	sshll.u32 s4, $0x1;
	s4 =	sadd.s32 s21, s2  }
0x9d: {  	[timem:s6], [sflag:s22] =	dma.local [hbm:s4], s20  }
0x9e: {  	_ =	swait.ge [sflag:s22], s20  }
0x9f: {  	s3 =	ssub.s32 $0x0, s20;
	[sflag:s22] =	ssyncset.done $0x0  }
0xa0: {  	[sflag:s22] =	ssyncadd.s32 s3;
	_ =	sdelay $0x1  }
0xa1: {  	s23 =	simm.s32 $0x1B8B  }
0xa2: {  	_ =	swait.ge [sflag:s23], $0x1  }
0xa3: {  	[sflag:s23] =	ssyncset.done $0x0  }
0xa4: {  	s25 =	simm.s32 $0x1B8E;
	s24 =	sld [smem:$0x3FFE];
	[sflag:s23] =	ssyncadd.s32 $0xFFFFFFFF  }
0xa5: {  	s26 =	simm.s32 $execute0_lowered;
	[smem:$0x3FD2] =	sst s25  }
0xa6: {  	s4 =	sshll.u32 s26, $0x1;
	_ =	strace $0x80000046;
	[dreg:$0x1] =	wrdreg $0xFFFFFFFF  }
0xa7: {  	s28 =	simm.s32 $_size_execute0_lowered;
	s2 =	sadd.s32 s2, s4;
	[dreg:$0x0] =	wrdreg $0x0  }
0xa8: {  	s4 =	sshll.u32 s28, $0x1;
	[dreg:$0x2] =	wrdreg s2  }
0xa9: {  	[dreg:$0x3] =	wrdreg s4  }
0xaa: {  	[dreg:$0x4] =	wrdreg $0xC0  }
0xab: {  	_ =	task [dreg:s6], $0x5FFFF  }
0xac: {  	[dreg:$0x1] =	wrdreg $0xFFFFFFFF  }
0xad: {  	[dreg:$0x0] =	wrdreg $0x60  }
0xae: {  	[dreg:$0x2] =	wrdreg s24  }
0xaf: {  	[dreg:$0x3] =	wrdreg $0xD4000  }
0xb0: {  	[dreg:$0x4] =	wrdreg $0x174000  }
0xb1: {  	[dreg:$0x5] =	wrdreg $0x9  }
0xb2: {  	_ =	task.clear_ibuf [dreg:s6], $0x6FFFF;
	_ =	strace $0x90000046  }
0xb3: {  	s29 =	simm.s32 $0x9;
	_ =	strace $0x80000048  }
0xb4: {  	_ =	swait.ge [sflag:s29], $0x1  }
0xb5: {  	[sflag:s29] =	ssyncadd.s32 $0xFFFFFFFF  }
0xb6: {  	_ =	strace $0x90000048  }
0xb7: {  	_ =	sfence  }
0xb8: {  	s30 =	sld [smem:$0x0];
	_ =	sdelay $0x2  }
0xb9: {  	s31 =	sshll.u32 s1, $0xD;
	s1 =	sshrl.u32 s1, $0x2  }
0xba: {  	s3 =	sand.u32 $0x4000, s31;
	s1 =	sadd.s32 s1, s30  }
0xbb: {  	s0 =	sor.u32 s3, s0;
	s1 =	sshll.u32 s1, $0x11  }
0xbc: {  	s0 =	sor.u32 s1, s0  }
0xbd: {  	s0 =	sadd.s32 $0x8F2B, s0  }
0xbe: {  	[sflag:s0] =	ssyncadd.remote.s32 $0x1  }
0xbf: {  	_ =	sfence.sel $0xFFFF  }
0xc0: {  	[dreg:$0x0] =	wrdreg $0xFFFFFFFF;
	(pc) =	sbr.abs _section_cstart, $3  }
0xc1: {  	[dreg:$0x1] =	wrdreg $0xFFFFFFFF  }
0xc2: {  	_ =	task.clear_ibuf [dreg:s6], $0x2FFFF;
	_ =	strace $0x9FFFFFFF  }
0xc3: {  	(tm) =	ssettm $0x7FFFFFFF  }
tec
execute0_lowered:
.L_overlay_start_1:
0x0: {  	(tag) =	ssettag $0x1  }
0x1: {  	s0 =	rddreg [dreg:$0x0]  }
0x2: {  	s2 =	rddreg [dreg:$0x1]  }
0x3: {  	s3 =	rddreg [dreg:$0x2]  }
0x4: {  	s4 =	simm.s32 $0x0;
	s16 =	stileid.u32;
	s9 =	srdreg.scid  }
0x5: {  	s28 =	simm.s32 $0x80;
	s29 =	simm.s32 $0x5000;
	s30 =	simm.s32 $0x7000  }
0x6: {  	s31 =	simm.s32 $0x4;
	[smem:$0x7FF] =	sst s4;
	s1 =	smul.u32 $0x500, s16  }
0x7: {  	s5 =	sadd.s32 $0x14E00, s0;
	s6 =	sadd.s32 $0x1400, s0;
	s25 =	smul.u32 $0xA000, s16  }
0x8: {  	s7 =	sadd.s32 $0x32800, s0;
	s8 =	sadd.s32 $0x33C00, s0;
	s26 =	smul.u32 $0x1400, s16  }
0x9: {  	s10 =	sadd.s32 $0x34000, s0;
	_ =	strace $0x80000047;
	[dreg:$0x4] =	wrdreg s7  }
0xa: {  	s9 =	sand.u32 $0x1, s9;
	s12 =	sshll.u32 s16, $0x6;
	[dreg:$0x5] =	wrdreg s8  }
0xb: {  	s21 =	sadd.s32 $0x49600, s0;
	s22 =	sadd.s32 $0x36780, s0;
	[dreg:$0x6] =	wrdreg s10  }
0xc: {  	p1 =	seq.s32 s16, $0xF;
	s16 =	simm.s32 $0xB000;
	[dreg:$0xb] =	wrdreg s21  }
0xd: {  	s11 =	ssub.s32 $0x2, s9;
	[dreg:$0xc] =	wrdreg s22;
	p0 =	sne.s32 s9, $0x0  }
0xe: {  	s22 =	simm.s32 $0x2800;
	s7 =	simm.s32 $0x8;
	s8 =	simm.s32 $0x9  }
0xf: {  	s9 =	simm.s32 $0x0;
	s1 =	sadd.s32 s1, s0;
	s14 =	sshrl.u32 s25, $0x3  }
0x10: {  	s15 =	sshrl.u32 s26, $0x3;
	s17 =	sshrl.u32 s11, $0x1;
	s10 =	sadd.s32 s25, s2  }
0x11: {  	s13 =	sadd.s32 s14, s0;
	s14 =	sadd.s32 s15, s0;
	s18 =	sadd.s32 $0x2D800, s1  }
0x12: {  	s15 =	ssub.s32 s11, s17;
	s1 =	sadd.s32 $0x28800, s1;
	[dreg:$0x7] =	wrdreg s18  }
0x13: {  	s11 =	sor.u32 $0x1C0A, s12;
	s0 =	sadd.s32 $0x5D000, s0;
	[dreg:$0x8] =	wrdreg s1  }
0x14: {  	s12 =	sadd.s32 s26, s3;
	s25 =	sshrl.u32 s10, $0x3;
	[dreg:$0xe] =	wrdreg s0  }
0x15: {  	s17 =	simm.s32 $0x1;
	s19 =	sadd.s32 $0x36A00, s13;
	[dreg:$0x10] =	wrdreg s25  }
0x16: {  	s20 =	sadd.s32 $0x34200, s14;
	s23 =	sadd.s32 $0x4A400, s13;
	[dreg:$0x9] =	wrdreg s19  }
.Ltmp0:
0x17: {  	s24 =	smax.u32 s15, $0x1;
	[dreg:$0xa] =	wrdreg s20;
	(pc) =	sbr.rel .LBB2_1-.Ltmp0, $4  }
0x18: {  	s26 =	sshrl.u32 s12, $0x3;
	s0 =	simm.s32 $0x9000;
	[dreg:$0xd] =	wrdreg s23  }
0x19: {  	s18 =	simm.s32 $0x2;
	s15 =	simm.s32 $0x6;
	[dreg:$0xf] =	wrdreg s24  }
0x1a: {  	s1 =	simm.s32 $0x7;
	[dreg:$0x11] =	wrdreg s26;
	s24 =	simm.s32 $0xD000  }
0x1b: {  	s26 =	simm.s32 $0xA;
	s19 =	simm.s32 $0x3;
	s20 =	simm.s32 $0x5  }
.LBB2_8:
0x1c: {  	_ =	swait.ge [sflag:s15], $0x2000  }
0x1d: {  	[sflag:s15] =	ssyncset.done $0x0  }
0x1e: {  	[sflag:s15] =	ssyncadd.s32 $0xFFFFE000  }
0x1f: {  	_ =	swait.ge [sflag:s1], $0x2000  }
0x20: {  	[sflag:s1] =	ssyncset.done $0x0  }
0x21: {  	[sflag:s1] =	ssyncadd.s32 $0xFFFFE000  }
0x22: {  	_ =	swait.ge [sflag:s7], $0x2000  }
0x23: {  	[sflag:s7] =	ssyncset.done $0x0  }
0x24: {  	[sflag:s7] =	ssyncadd.s32 $0xFFFFE000  }
0x25: {  	_ =	swait.ge [sflag:s8], $0x400  }
0x26: {  	[sflag:s8] =	ssyncset.done $0x0  }
0x27: {  	[sflag:s8] =	ssyncadd.s32 $0xFFFFFC00  }
0x28: {  	_ =	swait.ge [sflag:s8], $0x400  }
0x29: {  	[sflag:s8] =	ssyncset.done $0x0  }
0x2a: {  	[sflag:s8] =	ssyncadd.s32 $0xFFFFFC00  }
0x2b: {  	_ =	swait.ge [sflag:s8], $0x400  }
0x2c: {  	[sflag:s8] =	ssyncset.done $0x0  }
0x2d: {  	[sflag:s8] =	ssyncadd.s32 $0xFFFFFC00  }
0x2e: {  	_ =	swait.ge [sflag:s8], $0x400  }
0x2f: {  	[sflag:s8] =	ssyncset.done $0x0  }
0x30: {  	[sflag:s8] =	ssyncadd.s32 $0xFFFFFC00  }
0x31: {  	[bflag:$0x0] =	sbarrier.arrive $0xFFFF  }
0x32: {  	s21 =	simm.s32 @p1 $0x1FCB;
	s22 =	rddreg [dreg:$0xb]  }
0x33: {  	[hbm:s22], [sflag:s21] =	dma.local @p1 [spmem:s25], $0xC80  }
0x34: {  	s22 =	simm.s32 @p1 $0xB  }
0x35: {  	_ =	swait.ge @p1 [sflag:s22], $0xC80  }
0x36: {  	[sflag:s22] =	ssyncset.done @p1 $0x0  }
0x37: {  	s23 =	sshrl.u32 @p1 s12, $0x3;
	s25 =	rddreg [dreg:$0xc];
	[sflag:s22] =	ssyncadd.s32 @p1 $0xFFFFF380  }
0x38: {  	[hbm:s25], [sflag:s21] =	dma.local @p1 [spmem:s23], $0x190  }
0x39: {  	_ =	swait.ge @p1 [sflag:s22], $0x190  }
0x3a: {  	[sflag:s22] =	ssyncset.done @p1 $0x0  }
0x3b: {  	s21 =	rddreg [dreg:$0x9];
	[sflag:s22] =	ssyncadd.s32 @p1 $0xFFFFFE70  }
0x3c: {  	[hbm:s21], [sflag:s13] =	dma.local @!p1 [spmem:s14], $0x1400  }
0x3d: {  	s14 =	simm.s32 @!p1 $0xB  }
0x3e: {  	_ =	swait.ge @!p1 [sflag:s14], $0x1400  }
0x3f: {  	[sflag:s14] =	ssyncset.done @!p1 $0x0  }
0x40: {  	s21 =	sshrl.u32 @!p1 s12, $0x3;
	s22 =	rddreg [dreg:$0xa];
	[sflag:s14] =	ssyncadd.s32 @!p1 $0xFFFFEC00  }
0x41: {  	[hbm:s22], [sflag:s13] =	dma.local @!p1 [spmem:s21], $0x280  }
0x42: {  	_ =	swait.ge @!p1 [sflag:s14], $0x280  }
0x43: {  	[sflag:s14] =	ssyncset.done @!p1 $0x0  }
0x44: {  	[sflag:s14] =	ssyncadd.s32 @!p1 $0xFFFFFD80  }
.LBB2_9:
0x45: {  	s9 =	sadd.s32 $0x1, s9;
	s13 =	rddreg [dreg:$0xf]  }
0x46: {  	p2 =	sne.s32 s9, s13  }
.Ltmp1:
0x47: {  	_ = 	snop;
	(pc) =	sbr.rel @!p2 .LBB2_10-.Ltmp1, $2  }
0x48: {  	_ =	sdelay $0x2  }
0x49: {  	s22 =	simm.s32 $0x2800  }
.LBB2_1:
0x4a: {  	s13 =	rddreg [dreg:$0x4]  }
0x4b: {  	s14 =	rddreg [dreg:$0x10]  }
0x4c: {  	[spmem:s14], [sflag:s11] =	dma.local [hbm:s13], $0x1400  }
0x4d: {  	s13 =	rddreg [dreg:$0x5]  }
0x4e: {  	s14 =	rddreg [dreg:$0x11]  }
0x4f: {  	[spmem:s14], [sflag:s11] =	dma.local [hbm:s13], $0x280  }
0x50: {  	s13 =	rddreg [dreg:$0x6]  }
0x51: {  	[tilespmem:s24], [sflag:$0xA] =	stream.linear.gather [hbm4b:s13+s4], $0x400, $0x38;
	[tilespmem:$0x18800] =	vst v63  }
0x52: {  	s23 =	rddreg [dreg:$0x7]  }
0x53: {  	[tilespmem:s4], [sflag:$0xA] =	stream.linear.gather [hbm4b:s23+s4], $0x2800, $0x38;
	[tilespmem:$0x18800] =	vst v63  }
0x54: {  	s25 =	rddreg [dreg:$0x8]  }
0x55: {  	[tilespmem:s22], [sflag:$0xA] =	stream.linear.gather [hbm4b:s25+s4], $0x2800, $0x38;
	[tilespmem:$0x18800] =	vst v63  }
0x56: {  	_ =	swait.ge [sflag:s26], $0x1400  }
0x57: {  	[sflag:s26] =	ssyncset.done $0x0  }
0x58: {  	[sflag:s26] =	ssyncadd.s32 $0xFFFFEC00  }
0x59: {  	_ =	swait.ge [sflag:s26], $0x280  }
0x5a: {  	[sflag:s26] =	ssyncset.done $0x0  }
0x5b: {  	[sflag:s26] =	ssyncadd.s32 $0xFFFFFD80  }
0x5c: {  	_ =	swait.ge [sflag:s26], $0x400  }
0x5d: {  	[sflag:s26] =	ssyncset.done $0x0  }
0x5e: {  	[sflag:s26] =	ssyncadd.s32 $0xFFFFFC00  }
0x5f: {  	_ =	swait.ge [sflag:s26], $0x2800  }
0x60: {  	[sflag:s26] =	ssyncset.done $0x0  }
0x61: {  	[sflag:s26] =	ssyncadd.s32 $0xFFFFD800  }
.Ltmp2:
0x62: {  	_ =	swait.ge [sflag:s26], $0x2800;
	(pc) =	sbr.rel @p0 .LBB2_5-.Ltmp2, $4  }
0x63: {  	[sflag:s26] =	ssyncset.done $0x0  }
0x64: {  	s13 =	stileid.u32;
	[sflag:s26] =	ssyncadd.s32 $0xFFFFD800  }
0x65: {  	s21 =	simm.s32 $0x0;
	s13 =	sshll.u32 @!p1 s13, $0x6;
	[bflag:$0x0] =	sbarrier.arrive $0xFFFF  }
0x66: {  	s14 =	sshrl.u32 @!p1 s10, $0x3;
	s13 =	sor.u32 @!p1 $0x1C0B, s13;
	s25 =	sshrl.u32 @p1 s10, $0x3  }
0x67: {  	[tilespmem:s29], [sflag:$0x1] =	stream.indirect.gather [hbm4b:s5+s28], $0x40, s21, s28, $0xb8;
	[tilespmem:$0x18800] =	vst v63  }
0x68: {  	_ = 	snop  }
0x69: {  	[tilespmem:s30], [sflag:$0x2] =	stream.indirect.gather [hbm4b:s5+s28], $0x40, s28, s28, $0xb8;
	[tilespmem:$0x18800] =	vst v63  }
0x6a: {  	s23 =	simm.s32 $0x100  }
0x6b: {  	[tilespmem:s0], [sflag:$0x3] =	stream.indirect.gather [hbm4b:s5+s28], $0x40, s23, s28, $0xb8;
	[tilespmem:$0x18800] =	vst v63  }
0x6c: {  	s22 =	simm.s32 $0x180  }
0x6d: {  	[tilespmem:s16], [sflag:$0x4] =	stream.indirect.gather [hbm4b:s5+s28], $0x40, s22, s28, $0xb8;
	[tilespmem:$0x18800] =	vst v63  }
0x6e: {  	_ =	swait.ge [sflag:s17], $0x2000  }
0x6f: {  	[sflag:s17] =	ssyncset.done $0x0  }
0x70: {  	s23 =	simm.s32 $0x2800;
	[sflag:s17] =	ssyncadd.s32 $0xFFFFE000  }
0x71: {  	[spmem:s2] =	stream.indirect.scatter.add.f32 [tilespmem:s29], [sflag:$0x5], $0x40, s23, s28, $0xb8;
	[tilespmem:$0x18800] =	vst v63  }
0x72: {  	_ =	swait.ge [sflag:s18], $0x2000  }
0x73: {  	[sflag:s18] =	ssyncset.done $0x0  }
0x74: {  	s22 =	simm.s32 $0x2880;
	[sflag:s18] =	ssyncadd.s32 $0xFFFFE000  }
0x75: {  	[spmem:s2] =	stream.indirect.scatter.add.f32 [tilespmem:s30], [sflag:$0x6], $0x40, s22, s28, $0xb8;
	[tilespmem:$0x18800] =	vst v63  }
0x76: {  	_ =	swait.ge [sflag:s19], $0x2000  }
0x77: {  	[sflag:s19] =	ssyncset.done $0x0  }
0x78: {  	s23 =	simm.s32 $0x2900;
	[sflag:s19] =	ssyncadd.s32 $0xFFFFE000  }
0x79: {  	[spmem:s2] =	stream.indirect.scatter.add.f32 [tilespmem:s0], [sflag:$0x7], $0x40, s23, s28, $0xb8;
	[tilespmem:$0x18800] =	vst v63  }
0x7a: {  	_ =	swait.ge [sflag:s31], $0x2000  }
0x7b: {  	[sflag:s31] =	ssyncset.done $0x0  }
0x7c: {  	s22 =	simm.s32 $0x2980;
	[sflag:s31] =	ssyncadd.s32 $0xFFFFE000  }
0x7d: {  	[spmem:s2] =	stream.indirect.scatter.add.f32 [tilespmem:s16], [sflag:$0x8], $0x40, s22, s28, $0xb8;
	[tilespmem:$0x18800] =	vst v63  }
0x7e: {  	_ =	swait.ge [sflag:s20], $0x2000  }
0x7f: {  	[sflag:s20] =	ssyncset.done $0x0  }
0x80: {  	s23 =	simm.s32 $0x200;
	[sflag:s20] =	ssyncadd.s32 $0xFFFFE000  }
0x81: {  	[tilespmem:s29], [sflag:$0x1] =	stream.indirect.gather [hbm4b:s5+s28], $0x40, s23, s28, $0xb8;
	[tilespmem:$0x18800] =	vst v63  }
0x82: {  	_ =	swait.ge [sflag:s15], $0x2000  }
0x83: {  	[sflag:s15] =	ssyncset.done $0x0  }
0x84: {  	s22 =	simm.s32 $0x280;
	[sflag:s15] =	ssyncadd.s32 $0xFFFFE000  }
0x85: {  	[tilespmem:s30], [sflag:$0x2] =	stream.indirect.gather [hbm4b:s5+s28], $0x40, s22, s28, $0xb8;
	[tilespmem:$0x18800] =	vst v63  }
0x86: {  	_ =	swait.ge [sflag:s1], $0x2000  }
0x87: {  	[sflag:s1] =	ssyncset.done $0x0  }
0x88: {  	s23 =	simm.s32 $0x300;
	[sflag:s1] =	ssyncadd.s32 $0xFFFFE000  }
0x89: {  	[tilespmem:s0], [sflag:$0x3] =	stream.indirect.gather [hbm4b:s5+s28], $0x40, s23, s28, $0xb8;
	[tilespmem:$0x18800] =	vst v63  }
0x8a: {  	_ =	swait.ge [sflag:s7], $0x2000  }
0x8b: {  	[sflag:s7] =	ssyncset.done $0x0  }
0x8c: {  	s21 =	simm.s32 $0x800;
	s22 =	simm.s32 $0x380;
	[sflag:s7] =	ssyncadd.s32 $0xFFFFE000  }
.LBB2_3:
0x8d: {  	[tilespmem:s16], [sflag:$0x4] =	stream.indirect.gather [hbm4b:s5+s28], $0x40, s22, s28, $0xb8;
	[tilespmem:$0x18800] =	vst v63  }
0x8e: {  	s22 =	smov.u32 s21  }
0x8f: {  	p2 =	sne.s32 s21, $0x9000;
	s21 =	sadd.s32 $0x800, s21;
	_ =	swait.ge [sflag:s17], $0x2000  }
0x90: {  	s22 =	sshra.s32 s22, $0x2;
	[sflag:s17] =	ssyncset.done $0x0  }
0x91: {  	s23 =	sadd.s32 $0x2800, s22;
	[sflag:s17] =	ssyncadd.s32 $0xFFFFE000  }
0x92: {  	[spmem:s2] =	stream.indirect.scatter.add.f32 [tilespmem:s29], [sflag:$0x5], $0x40, s23, s28, $0xb8;
	[tilespmem:$0x18800] =	vst v63  }
0x93: {  	_ =	swait.ge [sflag:s18], $0x2000  }
0x94: {  	[sflag:s18] =	ssyncset.done $0x0  }
0x95: {  	s23 =	sadd.s32 $0x2880, s22;
	[sflag:s18] =	ssyncadd.s32 $0xFFFFE000  }
0x96: {  	[spmem:s2] =	stream.indirect.scatter.add.f32 [tilespmem:s30], [sflag:$0x6], $0x40, s23, s28, $0xb8;
	[tilespmem:$0x18800] =	vst v63  }
0x97: {  	_ =	swait.ge [sflag:s19], $0x2000  }
0x98: {  	[sflag:s19] =	ssyncset.done $0x0  }
0x99: {  	s23 =	sadd.s32 $0x2900, s22;
	[sflag:s19] =	ssyncadd.s32 $0xFFFFE000  }
0x9a: {  	[spmem:s2] =	stream.indirect.scatter.add.f32 [tilespmem:s0], [sflag:$0x7], $0x40, s23, s28, $0xb8;
	[tilespmem:$0x18800] =	vst v63  }
0x9b: {  	_ =	swait.ge [sflag:s31], $0x2000  }
0x9c: {  	[sflag:s31] =	ssyncset.done $0x0  }
0x9d: {  	s23 =	sadd.s32 $0x2980, s22;
	[sflag:s31] =	ssyncadd.s32 $0xFFFFE000  }
0x9e: {  	[spmem:s2] =	stream.indirect.scatter.add.f32 [tilespmem:s16], [sflag:$0x8], $0x40, s23, s28, $0xb8;
	[tilespmem:$0x18800] =	vst v63  }
0x9f: {  	_ =	swait.ge [sflag:s20], $0x2000  }
0xa0: {  	[sflag:s20] =	ssyncset.done $0x0  }
0xa1: {  	s23 =	sadd.s32 $0x200, s22;
	[sflag:s20] =	ssyncadd.s32 $0xFFFFE000  }
0xa2: {  	[tilespmem:s29], [sflag:$0x1] =	stream.indirect.gather [hbm4b:s5+s28], $0x40, s23, s28, $0xb8;
	[tilespmem:$0x18800] =	vst v63  }
0xa3: {  	_ =	swait.ge [sflag:s15], $0x2000  }
0xa4: {  	[sflag:s15] =	ssyncset.done $0x0  }
0xa5: {  	s23 =	sadd.s32 $0x280, s22;
	[sflag:s15] =	ssyncadd.s32 $0xFFFFE000  }
0xa6: {  	[tilespmem:s30], [sflag:$0x2] =	stream.indirect.gather [hbm4b:s5+s28], $0x40, s23, s28, $0xb8;
	[tilespmem:$0x18800] =	vst v63  }
0xa7: {  	_ =	swait.ge [sflag:s1], $0x2000  }
0xa8: {  	[sflag:s1] =	ssyncset.done $0x0  }
.Ltmp3:
0xa9: {  	s23 =	sadd.s32 $0x300, s22;
	[sflag:s1] =	ssyncadd.s32 $0xFFFFE000;
	(pc) =	sbr.rel @p2 .LBB2_3-.Ltmp3, $4  }
0xaa: {  	[tilespmem:s0], [sflag:$0x3] =	stream.indirect.gather [hbm4b:s5+s28], $0x40, s23, s28, $0xb8;
	[tilespmem:$0x18800] =	vst v63  }
0xab: {  	_ =	swait.ge [sflag:s7], $0x2000  }
0xac: {  	[sflag:s7] =	ssyncset.done $0x0  }
0xad: {  	s22 =	sadd.s32 $0x380, s22;
	[sflag:s7] =	ssyncadd.s32 $0xFFFFE000  }
0xae: {  	[tilespmem:s16], [sflag:$0x4] =	stream.indirect.gather [hbm4b:s5+s28], $0x40, s22, s28, $0xb8;
	[tilespmem:$0x18800] =	vst v63  }
0xaf: {  	_ =	swait.ge [sflag:s17], $0x2000  }
0xb0: {  	[sflag:s17] =	ssyncset.done $0x0  }
0xb1: {  	s21 =	simm.s32 $0x4E00;
	[sflag:s17] =	ssyncadd.s32 $0xFFFFE000  }
0xb2: {  	[spmem:s2] =	stream.indirect.scatter.add.f32 [tilespmem:s29], [sflag:$0x5], $0x40, s21, s28, $0xb8;
	[tilespmem:$0x18800] =	vst v63  }
0xb3: {  	_ =	swait.ge [sflag:s18], $0x2000  }
0xb4: {  	[sflag:s18] =	ssyncset.done $0x0  }
0xb5: {  	s23 =	simm.s32 $0x4E80;
	[sflag:s18] =	ssyncadd.s32 $0xFFFFE000  }
0xb6: {  	[spmem:s2] =	stream.indirect.scatter.add.f32 [tilespmem:s30], [sflag:$0x6], $0x40, s23, s28, $0xb8;
	[tilespmem:$0x18800] =	vst v63  }
0xb7: {  	_ =	swait.ge [sflag:s19], $0x2000  }
0xb8: {  	[sflag:s19] =	ssyncset.done $0x0  }
0xb9: {  	s22 =	simm.s32 $0x4F00;
	[sflag:s19] =	ssyncadd.s32 $0xFFFFE000  }
0xba: {  	[spmem:s2] =	stream.indirect.scatter.add.f32 [tilespmem:s0], [sflag:$0x7], $0x40, s22, s28, $0xb8;
	[tilespmem:$0x18800] =	vst v63  }
0xbb: {  	_ =	swait.ge [sflag:s31], $0x2000  }
0xbc: {  	[sflag:s31] =	ssyncset.done $0x0  }
0xbd: {  	s23 =	simm.s32 $0x4F80;
	[sflag:s31] =	ssyncadd.s32 $0xFFFFE000  }
0xbe: {  	[spmem:s2] =	stream.indirect.scatter.add.f32 [tilespmem:s16], [sflag:$0x8], $0x40, s23, s28, $0xb8;
	[tilespmem:$0x18800] =	vst v63  }
0xbf: {  	_ =	swait.ge [sflag:s20], $0x2000  }
0xc0: {  	[sflag:s20] =	ssyncset.done $0x0  }
0xc1: {  	[sflag:s20] =	ssyncadd.s32 $0xFFFFE000  }
0xc2: {  	_ =	swait.ge [sflag:s15], $0x2000  }
0xc3: {  	[sflag:s15] =	ssyncset.done $0x0  }
0xc4: {  	[sflag:s15] =	ssyncadd.s32 $0xFFFFE000  }
0xc5: {  	_ =	swait.ge [sflag:s1], $0x2000  }
0xc6: {  	[sflag:s1] =	ssyncset.done $0x0  }
0xc7: {  	[sflag:s1] =	ssyncadd.s32 $0xFFFFE000  }
0xc8: {  	_ =	swait.ge [sflag:s7], $0x2000  }
0xc9: {  	[sflag:s7] =	ssyncset.done $0x0  }
0xca: {  	[sflag:s7] =	ssyncadd.s32 $0xFFFFE000  }
0xcb: {  	[bflag:$0x0] =	sbarrier.arrive $0xFFFF  }
0xcc: {  	s21 =	simm.s32 @p1 $0x1FCB;
	s22 =	rddreg [dreg:$0xe]  }
0xcd: {  	[hbm:s22], [sflag:s21] =	dma.local @p1 [spmem:s25], $0xC80  }
0xce: {  	s21 =	simm.s32 @p1 $0xB  }
0xcf: {  	_ =	swait.ge @p1 [sflag:s21], $0xC80  }
0xd0: {  	[sflag:s21] =	ssyncset.done @p1 $0x0  }
0xd1: {  	[sflag:s21] =	ssyncadd.s32 @p1 $0xFFFFF380;
	s21 =	rddreg [dreg:$0xd]  }
0xd2: {  	[hbm:s21], [sflag:s13] =	dma.local @!p1 [spmem:s14], $0x1400  }
.Ltmp4:
0xd3: {  	_ = 	snop;
	(pc) =	sbr.rel .LBB2_9-.Ltmp4, $4  }
0xd4: {  	s13 =	simm.s32 @!p1 $0xB  }
0xd5: {  	_ =	swait.ge @!p1 [sflag:s13], $0x1400  }
0xd6: {  	[sflag:s13] =	ssyncset.done @!p1 $0x0  }
0xd7: {  	[sflag:s13] =	ssyncadd.s32 @!p1 $0xFFFFEC00  }
.LBB2_5:
0xd8: {  	[tilespmem:s29], [sflag:$0x1] =	stream.indirect.gather [hbm4b:s6+s28], $0x40, s21, s28, $0xb8;
	[tilespmem:$0x18800] =	vst v63  }
0xd9: {  	_ = 	snop  }
0xda: {  	[tilespmem:s30], [sflag:$0x2] =	stream.indirect.gather [hbm4b:s6+s28], $0x40, s28, s28, $0xb8;
	[tilespmem:$0x18800] =	vst v63  }
0xdb: {  	s23 =	simm.s32 $0x100  }
0xdc: {  	[tilespmem:s0], [sflag:$0x3] =	stream.indirect.gather [hbm4b:s6+s28], $0x40, s23, s28, $0xb8;
	[tilespmem:$0x18800] =	vst v63  }
0xdd: {  	s23 =	simm.s32 $0x180  }
0xde: {  	[tilespmem:s16], [sflag:$0x4] =	stream.indirect.gather [hbm4b:s6+s28], $0x40, s23, s28, $0xb8;
	[tilespmem:$0x18800] =	vst v63  }
0xdf: {  	_ =	swait.ge [sflag:s17], $0x2000  }
0xe0: {  	[sflag:s17] =	ssyncset.done $0x0  }
0xe1: {  	[sflag:s17] =	ssyncadd.s32 $0xFFFFE000  }
0xe2: {  	[spmem:s2] =	stream.indirect.scatter.add.f32 [tilespmem:s29], [sflag:$0x5], $0x40, s22, s28, $0xb8;
	[tilespmem:$0x18800] =	vst v63  }
0xe3: {  	_ = 	snop  }
0xe4: {  	[spmem:s3] =	stream.indirect.scatter.add.f32 [tilespmem:s24], [sflag:$0x9], $0x8, s22, s28, $0xb8;
	[tilespmem:$0x18800] =	vst v63  }
0xe5: {  	_ =	swait.ge [sflag:s18], $0x2000  }
0xe6: {  	[sflag:s18] =	ssyncset.done $0x0  }
0xe7: {  	s23 =	simm.s32 $0x2880;
	[sflag:s18] =	ssyncadd.s32 $0xFFFFE000  }
0xe8: {  	[spmem:s2] =	stream.indirect.scatter.add.f32 [tilespmem:s30], [sflag:$0x6], $0x40, s23, s28, $0xb8;
	[tilespmem:$0x18800] =	vst v63  }
0xe9: {  	_ = 	snop  }
0xea: {  	[spmem:s3] =	stream.indirect.scatter.add.f32 [tilespmem:s24], [sflag:$0x9], $0x8, s23, s28, $0xb8;
	[tilespmem:$0x18800] =	vst v63  }
0xeb: {  	_ =	swait.ge [sflag:s19], $0x2000  }
0xec: {  	[sflag:s19] =	ssyncset.done $0x0  }
0xed: {  	s23 =	simm.s32 $0x2900;
	[sflag:s19] =	ssyncadd.s32 $0xFFFFE000  }
0xee: {  	[spmem:s2] =	stream.indirect.scatter.add.f32 [tilespmem:s0], [sflag:$0x7], $0x40, s23, s28, $0xb8;
	[tilespmem:$0x18800] =	vst v63  }
0xef: {  	_ = 	snop  }
0xf0: {  	[spmem:s3] =	stream.indirect.scatter.add.f32 [tilespmem:s24], [sflag:$0x9], $0x8, s23, s28, $0xb8;
	[tilespmem:$0x18800] =	vst v63  }
0xf1: {  	_ =	swait.ge [sflag:s31], $0x2000  }
0xf2: {  	[sflag:s31] =	ssyncset.done $0x0  }
0xf3: {  	s23 =	simm.s32 $0x2980;
	[sflag:s31] =	ssyncadd.s32 $0xFFFFE000  }
0xf4: {  	[spmem:s2] =	stream.indirect.scatter.add.f32 [tilespmem:s16], [sflag:$0x8], $0x40, s23, s28, $0xb8;
	[tilespmem:$0x18800] =	vst v63  }
0xf5: {  	_ = 	snop  }
0xf6: {  	[spmem:s3] =	stream.indirect.scatter.add.f32 [tilespmem:s24], [sflag:$0x9], $0x8, s23, s28, $0xb8;
	[tilespmem:$0x18800] =	vst v63  }
0xf7: {  	_ =	swait.ge [sflag:s20], $0x2000  }
0xf8: {  	[sflag:s20] =	ssyncset.done $0x0  }
0xf9: {  	s23 =	simm.s32 $0x200;
	[sflag:s20] =	ssyncadd.s32 $0xFFFFE000  }
0xfa: {  	[tilespmem:s29], [sflag:$0x1] =	stream.indirect.gather [hbm4b:s6+s28], $0x40, s23, s28, $0xb8;
	[tilespmem:$0x18800] =	vst v63  }
0xfb: {  	_ =	swait.ge [sflag:s15], $0x2000  }
0xfc: {  	[sflag:s15] =	ssyncset.done $0x0  }
0xfd: {  	s23 =	simm.s32 $0x280;
	[sflag:s15] =	ssyncadd.s32 $0xFFFFE000  }
0xfe: {  	[tilespmem:s30], [sflag:$0x2] =	stream.indirect.gather [hbm4b:s6+s28], $0x40, s23, s28, $0xb8;
	[tilespmem:$0x18800] =	vst v63  }
0xff: {  	_ =	swait.ge [sflag:s1], $0x2000  }
0x100: {  	[sflag:s1] =	ssyncset.done $0x0  }
0x101: {  	s23 =	simm.s32 $0x300;
	[sflag:s1] =	ssyncadd.s32 $0xFFFFE000  }
0x102: {  	[tilespmem:s0], [sflag:$0x3] =	stream.indirect.gather [hbm4b:s6+s28], $0x40, s23, s28, $0xb8;
	[tilespmem:$0x18800] =	vst v63  }
0x103: {  	_ =	swait.ge [sflag:s7], $0x2000  }
0x104: {  	[sflag:s7] =	ssyncset.done $0x0  }
0x105: {  	s23 =	simm.s32 $0x380;
	[sflag:s7] =	ssyncadd.s32 $0xFFFFE000  }
0x106: {  	[tilespmem:s16], [sflag:$0x4] =	stream.indirect.gather [hbm4b:s6+s28], $0x40, s23, s28, $0xb8;
	[tilespmem:$0x18800] =	vst v63  }
.LBB2_6:
0x107: {  	_ =	swait.ge [sflag:s8], $0x400  }
0x108: {  	[sflag:s8] =	ssyncset.done $0x0  }
0x109: {  	[sflag:s8] =	ssyncadd.s32 $0xFFFFFC00  }
0x10a: {  	_ =	swait.ge [sflag:s8], $0x400  }
0x10b: {  	[sflag:s8] =	ssyncset.done $0x0  }
0x10c: {  	[sflag:s8] =	ssyncadd.s32 $0xFFFFFC00  }
0x10d: {  	_ =	swait.ge [sflag:s8], $0x400  }
0x10e: {  	[sflag:s8] =	ssyncset.done $0x0  }
0x10f: {  	[sflag:s8] =	ssyncadd.s32 $0xFFFFFC00  }
0x110: {  	_ =	swait.ge [sflag:s8], $0x400  }
0x111: {  	[sflag:s8] =	ssyncset.done $0x0  }
0x112: {  	[sflag:s8] =	ssyncadd.s32 $0xFFFFFC00  }
0x113: {  	_ =	swait.ge [sflag:s17], $0x2000  }
0x114: {  	s22 =	sshra.s32 s21, $0x2;
	[sflag:s17] =	ssyncset.done $0x0  }
0x115: {  	s23 =	sadd.s32 $0x2A00, s22;
	[sflag:s17] =	ssyncadd.s32 $0xFFFFE000  }
0x116: {  	[spmem:s2] =	stream.indirect.scatter.add.f32 [tilespmem:s29], [sflag:$0x5], $0x40, s23, s28, $0xb8;
	[tilespmem:$0x18800] =	vst v63  }
0x117: {  	_ = 	snop  }
0x118: {  	[spmem:s3] =	stream.indirect.scatter.add.f32 [tilespmem:s24], [sflag:$0x9], $0x8, s23, s28, $0xb8;
	[tilespmem:$0x18800] =	vst v63  }
0x119: {  	_ =	swait.ge [sflag:s18], $0x2000  }
0x11a: {  	[sflag:s18] =	ssyncset.done $0x0  }
0x11b: {  	s23 =	sadd.s32 $0x2A80, s22;
	[sflag:s18] =	ssyncadd.s32 $0xFFFFE000  }
0x11c: {  	[spmem:s2] =	stream.indirect.scatter.add.f32 [tilespmem:s30], [sflag:$0x6], $0x40, s23, s28, $0xb8;
	[tilespmem:$0x18800] =	vst v63  }
0x11d: {  	_ = 	snop  }
0x11e: {  	[spmem:s3] =	stream.indirect.scatter.add.f32 [tilespmem:s24], [sflag:$0x9], $0x8, s23, s28, $0xb8;
	[tilespmem:$0x18800] =	vst v63  }
0x11f: {  	_ =	swait.ge [sflag:s19], $0x2000  }
0x120: {  	[sflag:s19] =	ssyncset.done $0x0  }
0x121: {  	s23 =	sadd.s32 $0x2B00, s22;
	[sflag:s19] =	ssyncadd.s32 $0xFFFFE000  }
0x122: {  	[spmem:s2] =	stream.indirect.scatter.add.f32 [tilespmem:s0], [sflag:$0x7], $0x40, s23, s28, $0xb8;
	[tilespmem:$0x18800] =	vst v63  }
0x123: {  	_ = 	snop  }
0x124: {  	[spmem:s3] =	stream.indirect.scatter.add.f32 [tilespmem:s24], [sflag:$0x9], $0x8, s23, s28, $0xb8;
	[tilespmem:$0x18800] =	vst v63  }
0x125: {  	_ =	swait.ge [sflag:s31], $0x2000  }
0x126: {  	[sflag:s31] =	ssyncset.done $0x0  }
0x127: {  	p2 =	seq.s32 s21, $0x9000;
	s23 =	sadd.s32 $0x2B80, s22;
	[sflag:s31] =	ssyncadd.s32 $0xFFFFE000  }
0x128: {  	[spmem:s2] =	stream.indirect.scatter.add.f32 [tilespmem:s16], [sflag:$0x8], $0x40, s23, s28, $0xb8;
	[tilespmem:$0x18800] =	vst v63  }
.Ltmp5:
0x129: {  	_ = 	snop;
	(pc) =	sbr.rel @p2 .LBB2_8-.Ltmp5, $4  }
0x12a: {  	[spmem:s3] =	stream.indirect.scatter.add.f32 [tilespmem:s24], [sflag:$0x9], $0x8, s23, s28, $0xb8;
	[tilespmem:$0x18800] =	vst v63  }
0x12b: {  	_ =	swait.ge [sflag:s20], $0x2000  }
0x12c: {  	[sflag:s20] =	ssyncset.done $0x0  }
0x12d: {  	[sflag:s20] =	ssyncadd.s32 $0xFFFFE000  }
0x12e: {  	s23 =	sadd.s32 $0x400, s22  }
0x12f: {  	[tilespmem:s29], [sflag:$0x1] =	stream.indirect.gather [hbm4b:s6+s28], $0x40, s23, s28, $0xb8;
	[tilespmem:$0x18800] =	vst v63  }
0x130: {  	_ =	swait.ge [sflag:s15], $0x2000  }
0x131: {  	[sflag:s15] =	ssyncset.done $0x0  }
0x132: {  	s23 =	sadd.s32 $0x480, s22;
	[sflag:s15] =	ssyncadd.s32 $0xFFFFE000  }
0x133: {  	[tilespmem:s30], [sflag:$0x2] =	stream.indirect.gather [hbm4b:s6+s28], $0x40, s23, s28, $0xb8;
	[tilespmem:$0x18800] =	vst v63  }
0x134: {  	_ =	swait.ge [sflag:s1], $0x2000  }
0x135: {  	[sflag:s1] =	ssyncset.done $0x0  }
0x136: {  	s23 =	sadd.s32 $0x500, s22;
	[sflag:s1] =	ssyncadd.s32 $0xFFFFE000  }
0x137: {  	[tilespmem:s0], [sflag:$0x3] =	stream.indirect.gather [hbm4b:s6+s28], $0x40, s23, s28, $0xb8;
	[tilespmem:$0x18800] =	vst v63  }
.Ltmp6:
0x138: {  	_ = 	snop;
	(pc) =	sbr.rel .LBB2_6-.Ltmp6, $4  }
0x139: {  	_ =	swait.ge [sflag:s7], $0x2000  }
0x13a: {  	[sflag:s7] =	ssyncset.done $0x0  }
0x13b: {  	s21 =	sadd.s32 $0x800, s21;
	s23 =	sadd.s32 $0x580, s22;
	[sflag:s7] =	ssyncadd.s32 $0xFFFFE000  }
0x13c: {  	[tilespmem:s16], [sflag:$0x4] =	stream.indirect.gather [hbm4b:s6+s28], $0x40, s23, s28, $0xb8;
	[tilespmem:$0x18800] =	vst v63  }
.LBB2_10:
0x13d: {  	_ =	sfence.sel $0x180000  }
0x13e: {  	[bflag:$0x0] =	sbarrier.arrive $0xFFFF  }
0x13f: {  	_ =	strace $0x90000047  }
0x140: {  	s0 =	stileid.u32;
	[bflag:$0x2] =	sbarrier.arrive $0xFFFF  }
0x141: {  	p0 =	sne.s32 s0, $0x0;
	s0 =	rddreg [dreg:$0x3]  }
0x142: {  	s0 =	sadd.s32 @!p0 $0x100000, s0  }
0x143: {  	[sflag:s0] =	ssyncadd.tile.s32 @!p0 $0x1;
	_ =	shalt  }
.Lfunc_end2:
_tile_overlayer_lowered:
.L_overlay_start_2:
0x144: {  	(tag) =	ssettag $0x2  }
0x145: {  	s0 =	rddreg [dreg:$0x0];
	s2 =	stileid.u32  }
0x146: {  	s1 =	rddreg [dreg:$0x1];
	p0 =	sne.s32 s2, $0x0  }
0x147: {  	s3 =	rddreg [dreg:$0x2];
	[bflag:$0x3] =	sbarrier.arrive $0xFFFF;
	s2 =	simm.s32 @!p0 $0x1C0B  }
0x148: {  	[timem:s3], [sflag:s2] =	dma.local @!p0 [hbm:s0], s1  }
0x149: {  	s0 =	simm.s32 @!p0 $0xB  }
0x14a: {  	_ =	swait.ge @!p0 [sflag:s0], s1  }
0x14b: {  	s1 =	ssub.s32 @!p0 $0x0, s1;
	[sflag:s0] =	ssyncset.done @!p0 $0x0  }
0x14c: {  	[sflag:s0] =	ssyncadd.s32 @!p0 s1  }
0x14d: {  	[bflag:$0x3] =	sbarrier.arrive $0xFFFF  }
0x14e: {  	_ =	shalt  }

</sc_bundles>
